<compile_context>
chip_gen: v7x
topology: tpu7x:2x2x1
jax: 0.10.2.dev20260603
libtpu: 0.0.44.dev20260713+nightly
codegen_flags: <defaults>
</compile_context>

<pallas_src>
import functools

import jax
import jax.numpy as jnp
from jax import lax
from jax.experimental import pallas as pl
from jax.experimental.pallas import tpu as pltpu
from jax.experimental.pallas import tpu_sc as plsc

G = 64
NW = 32
CW = 80


def _segment_sum_sc(u, src_r, dst_r):
    n, f = u.shape
    nw, ch, cw = src_r.shape
    rows_per_tile = 8 * pl.cdiv(n, 16 * 8)
    npad = 16 * rows_per_tile
    zr = rows_per_tile // 8
    mesh = plsc.VectorSubcoreMesh(core_axis_name="c", subcore_axis_name="s")

    @functools.partial(
        pl.kernel,
        out_type=jax.ShapeDtypeStruct((2, npad, f), jnp.float32),
        mesh=mesh,
        compiler_params=pltpu.CompilerParams(use_tc_tiling_on_sc=False),
        scratch_types=[
            pltpu.VMEM((ch, cw), jnp.int32),
            pltpu.VMEM((ch, cw), jnp.int32),
            pltpu.VMEM((cw, f), jnp.float32),
            pltpu.VMEM((cw, f), jnp.float32),
            pltpu.VMEM((zr, f), jnp.float32),
            pltpu.VMEM_SHARED((npad, f), jnp.float32),
            pltpu.SemaphoreType.DMA,
            pltpu.SemaphoreType.DMA,
        ],
    )
    def seg(u_hbm, src_hbm, dst_hbm, out_hbm,
            src_v, dst_v, rows0, rows1, zbuf, acc, sem0, sem1):
        c = lax.axis_index("c")
        s = lax.axis_index("s")
        w = c * 16 + s

        pltpu.sync_copy(src_hbm.at[w], src_v)
        pltpu.sync_copy(dst_hbm.at[w], dst_v)

        @pl.loop(0, zr)
        def _(i):
            @pl.loop(0, f, step=16)
            def _(j):
                zbuf[i, pl.ds(j, 16)] = jnp.zeros((16,), jnp.float32)

        @pl.loop(0, 8)
        def _(i):
            pltpu.sync_copy(zbuf, acc.at[pl.ds(s * rows_per_tile + i * zr, zr)])

        plsc.subcore_barrier()

        rows = (rows0, rows1)
        sems = (sem0, sem1)

        def start(chunk, slot):
            pltpu.async_copy(u_hbm.at[src_v.at[chunk]], rows[slot], sems[slot])

        def wait(slot):
            pltpu.make_async_copy(u_hbm.at[src_v.at[0]], rows[slot],
                                  sems[slot]).wait()

        def scat(chunk, slot):
            pltpu.sync_copy(rows[slot], acc.at[dst_v.at[chunk]], add=True)

        start(0, 0)

        @pl.loop(0, ch, step=2)
        def _(j):
            @pl.when(j + 1 < ch)
            def _():
                start(j + 1, 1)

            wait(0)
            scat(j, 0)

            @pl.when(j + 2 < ch)
            def _():
                start(j + 2, 0)

            @pl.when(j + 1 < ch)
            def _():
                wait(1)
                scat(j + 1, 1)

        plsc.subcore_barrier()

        pltpu.sync_copy(acc.at[pl.ds(s * rows_per_tile, rows_per_tile)],
                        out_hbm.at[c].at[pl.ds(s * rows_per_tile, rows_per_tile)])

    return seg(u, src_r, dst_r)


def _first_matmul_tc(x, w1):
    n = x.shape[0]
    hd = w1.shape[1]

    def body(x_ref, w_ref, o_ref):
        o_ref[...] = jnp.dot(x_ref[...], w_ref[...],
                             preferred_element_type=jnp.float32)

    return pl.pallas_call(
        body,
        out_shape=jax.ShapeDtypeStruct((n, hd), jnp.float32),
    )(x, w1)


def _gin_tail_tc(u, parts, eps11, b1, w2, b2, gamma, beta, w1n):
    n, hd = u.shape

    def body(u_ref, p_ref, eps_ref, b1_ref, w2_ref, b2_ref,
             g_ref, be_ref, w1n_ref, h_ref, un_ref):
        agg = p_ref[0, :n, :] + p_ref[1, :n, :]
        z1 = jnp.maximum(u_ref[...] * (1.0 + eps_ref[0, 0]) + agg
                         + b1_ref[...], 0.0)
        z2 = jnp.dot(z1, w2_ref[...], preferred_element_type=jnp.float32)
        z2 = jnp.maximum(z2 + b2_ref[...], 0.0)
        mu = jnp.mean(z2, axis=0, keepdims=True)
        d = z2 - mu
        var = jnp.mean(d * d, axis=0, keepdims=True)
        h = d * lax.rsqrt(var + 1e-5) * g_ref[...] + be_ref[...]
        h_ref[...] = h
        un_ref[...] = jnp.dot(h, w1n_ref[...],
                              preferred_element_type=jnp.float32)

    return pl.pallas_call(
        body,
        out_shape=(jax.ShapeDtypeStruct((n, hd), jnp.float32),
                   jax.ShapeDtypeStruct((n, w1n.shape[1]), jnp.float32)),
    )(u, parts, eps11, b1, w2, b2, gamma, beta, w1n)


def _pool_cls_tc(h1, h2, h3, batch_row, w0a, w0b, w0c, b0, w1, b1,
                 w2, b2, w3, b3):
    n = h1.shape[0]
    c_out = w3.shape[1]

    def body(h1_ref, h2_ref, h3_ref, b_ref, w0a_ref, w0b_ref, w0c_ref,
             b0_ref, w1_ref, b1_ref, w2_ref, b2_ref, w3_ref, b3_ref, o_ref):
        gi = lax.broadcasted_iota(jnp.int32, (G, n), 0)
        pt = (gi == b_ref[...]).astype(jnp.float32)
        cnt = jnp.sum(pt, axis=1, keepdims=True)
        inv = 1.0 / jnp.maximum(cnt, 1.0)
        p1 = jnp.dot(pt, h1_ref[...], preferred_element_type=jnp.float32)
        p2 = jnp.dot(pt, h2_ref[...], preferred_element_type=jnp.float32)
        p3 = jnp.dot(pt, h3_ref[...], preferred_element_type=jnp.float32)
        g0 = (jnp.dot(p1, w0a_ref[...], preferred_element_type=jnp.float32)
              + jnp.dot(p2, w0b_ref[...], preferred_element_type=jnp.float32)
              + jnp.dot(p3, w0c_ref[...], preferred_element_type=jnp.float32))
        g0 = jnp.maximum(g0 * inv + b0_ref[...], 0.0)
        g1 = jnp.dot(g0, w1_ref[...], preferred_element_type=jnp.float32)
        g1 = jnp.maximum(g1 + b1_ref[...], 0.0)
        g2 = jnp.dot(g1, w2_ref[...], preferred_element_type=jnp.float32)
        g2 = jnp.maximum(g2 + b2_ref[...], 0.0)
        lg = jnp.dot(g2, w3_ref[...], preferred_element_type=jnp.float32)
        lg = lg + b3_ref[...]
        m = jnp.max(lg, axis=1, keepdims=True)
        ex = jnp.exp(lg - m)
        o_ref[...] = lg - m - jnp.log(jnp.sum(ex, axis=1, keepdims=True))

    return pl.pallas_call(
        body,
        out_shape=jax.ShapeDtypeStruct((G, c_out), jnp.float32),
    )(h1, h2, h3, batch_row, w0a, w0b, w0c, b0, w1, b1, w2, b2, w3, b3)


def kernel(x, params, edge_index, batch):
    n, d = x.shape
    e = edge_index.shape[1]
    ch = e // (NW * CW)
    src_r = edge_index[0].astype(jnp.int32).reshape(NW, ch, CW)
    dst_r = edge_index[1].astype(jnp.int32).reshape(NW, ch, CW)
    batch_row = batch.astype(jnp.int32).reshape(1, n)

    convs = params["convs"]
    u = _first_matmul_tc(x, convs[0]["W1"])
    hs = []
    for l, layer in enumerate(convs):
        parts = _segment_sum_sc(u, src_r, dst_r)
        w1n = convs[l + 1]["W1"] if l + 1 < len(convs) else convs[-1]["W1"]
        h, u = _gin_tail_tc(
            u, parts,
            layer["eps"].reshape(1, 1),
            layer["b1"].reshape(1, -1),
            layer["W2"], layer["b2"].reshape(1, -1),
            layer["gamma"].reshape(1, -1), layer["beta"].reshape(1, -1),
            w1n)
        hs.append(h)

    cls = params["cls"]
    hd = hs[0].shape[1]
    w0 = cls[0]["W"]
    return _pool_cls_tc(
        hs[0], hs[1], hs[2], batch_row,
        w0[:hd], w0[hd:2 * hd], w0[2 * hd:],
        cls[0]["b"].reshape(1, -1),
        cls[1]["W"], cls[1]["b"].reshape(1, -1),
        cls[2]["W"], cls[2]["b"].reshape(1, -1),
        cls[3]["W"], cls[3]["b"].reshape(1, -1))

# --- scband reference (transcript-rebuilt; emitter-appended) ---
"""Pipeline reference for scband-multi-task-fegin-9088150798767 (READ-ONLY COPY).

The authoritative reference and input builder live on the scoring server;
editing this copy changes nothing except your own understanding.
"""

import jax, jax.numpy as jnp
import numpy as np

N = 10000
E = 320000
D = 128
H = 64
L = 3
C = 16
G = 64

def _lin(key, fi, fo):
    return jax.random.normal(key, (fi, fo), dtype=jnp.float32) / np.sqrt(fi)

def setup_inputs(seed: int = 0):
    key = jax.random.key(seed)
    ks = jax.random.split(key, 32)
    x = jax.random.normal(ks[0], (N, D), dtype=jnp.float32)
    edge_index = jax.random.randint(ks[1], (2, E), 0, N)
    batch = jnp.sort(jax.random.randint(ks[2], (N,), 0, G))
    convs = []
    ki = 3
    for l in range(L):
        fi = D if l == 0 else H
        convs.append({
            "eps": jnp.zeros((), dtype=jnp.float32),
            "W1": _lin(ks[ki], fi, H), "b1": jnp.zeros((H,), jnp.float32),
            "W2": _lin(ks[ki + 1], H, H), "b2": jnp.zeros((H,), jnp.float32),
            "gamma": jnp.ones((H,), jnp.float32), "beta": jnp.zeros((H,), jnp.float32)})
        ki += 2
    dims = [(L * H, 2 * H), (2 * H, H), (H, H), (H, C)]
    cls = []
    for (fi, fo) in dims:
        cls.append({"W": _lin(ks[ki], fi, fo), "b": jnp.zeros((fo,), jnp.float32)})
        ki += 1
    params = {"convs": convs, "cls": cls}
    return {"x": x, "params": params, "edge_index": edge_index, "batch": batch}

def _forward(x, params, edge_index, batch):
    # task='classification' path: GIN encode -> global_mean_pool -> node_classifier -> log_softmax
    src = edge_index[0]
    dst = edge_index[1]
    h = x
    xs = []
    for layer in params["convs"]:
        # GINConv: mlp((1+eps)*x_i + sum_{j->i} x_j)
        agg = jax.ops.segment_sum(h[src], dst, num_segments=N)
        z = (1.0 + layer["eps"]) * h + agg
        z = jnp.maximum(z @ layer["W1"] + layer["b1"], 0.0)
        z = jnp.maximum(z @ layer["W2"] + layer["b2"], 0.0)
        mu = jnp.mean(z, axis=0)
        var = jnp.var(z, axis=0)
        h = (z - mu) / jnp.sqrt(var + 1e-5) * layer["gamma"] + layer["beta"]
        xs.append(h)
    node_emb = jnp.concatenate(xs, axis=-1)
    sums = jax.ops.segment_sum(node_emb, batch, num_segments=G)
    cnt = jax.ops.segment_sum(jnp.ones((N, 1), jnp.float32), batch, num_segments=G)
    g = sums / jnp.maximum(cnt, 1.0)
    n_cls = len(params["cls"])
    for i, layer in enumerate(params["cls"]):
        g = g @ layer["W"] + layer["b"]
        if i < n_cls - 1:
            g = jnp.maximum(g, 0.0)
    return jax.nn.log_softmax(g, axis=1)

def reference(x, params, edge_index, batch):
    return _forward(x, params, edge_index, batch)

if __name__ == "__main__":
    import jax
    _d = setup_inputs()
    print(jax.jit(kernel)(*tuple(_d.values())))

</pallas_src>

<mosaic_0001>
#map = affine_map<(d0, d1) -> (0, 0)>
#map1 = affine_map<(d0, d1) -> (0, 0, 0)>
module attributes {stable_mosaic.version = 14 : i64} {
  func.func @seg(%arg0: i32, %arg1: i32, %arg2: memref<10000x64xf32, #tpu.memory_space<hbm>>, %arg3: memref<32x125x80xi32, #tpu.memory_space<hbm>>, %arg4: memref<32x125x80xi32, #tpu.memory_space<hbm>>, %arg5: memref<2x10112x64xf32, #tpu.memory_space<hbm>>, %arg6: memref<125x80xi32, #tpu.memory_space<vmem>>, %arg7: memref<125x80xi32, #tpu.memory_space<vmem>>, %arg8: memref<80x64xf32, #tpu.memory_space<vmem>>, %arg9: memref<80x64xf32, #tpu.memory_space<vmem>>, %arg10: memref<79x64xf32, #tpu.memory_space<vmem>>, %arg11: memref<10112x64xf32, #tpu.memory_space<vmem_shared>>, %arg12: memref<!tpu.dma_semaphore, #tpu.memory_space<semaphore_mem>>, %arg13: memref<!tpu.dma_semaphore, #tpu.memory_space<semaphore_mem>>) attributes {dimension_semantics = [#tpu.dimension_semantics<core_parallel>, #tpu.dimension_semantics<subcore_parallel>], iteration_bounds = array<i64: 2, 16>, scalar_prefetch = 0 : i64, scratch_operands = 8 : i64, tpu.core_type = #tpu.core_type<sc_vector_subcore>, window_params = [{transform_indices = #map}, {transform_indices = #map1}, {transform_indices = #map1}, {transform_indices = #map1}]} {
    %mul3A = arith.constant 16 : i32
    %mul3A_0 = arith.muli %arg0, %mul3A : i32
    %add3A = arith.addi %mul3A_0, %arg1 : i32
    "tpu.region"() ({
      %run_scoped3A = tpu.sem_alloc : memref<!tpu.dma_semaphore, #tpu.memory_space<semaphore_mem>>
      %dma_start3A_26 = arith.constant 0 : i32
      %dma_start3A_27 = arith.constant 0 : i32
      %dma_start3A_28 = tpu.memref_slice %arg3[%add3A, %dma_start3A_26, %dma_start3A_27] : memref<32x125x80xi32, #tpu.memory_space<hbm>> -> memref<1x125x80xi32, #tpu.memory_space<hbm>>
      %dma_start3A_29 = tpu.memref_squeeze %dma_start3A_28 : memref<1x125x80xi32, #tpu.memory_space<hbm>> -> memref<125x80xi32, #tpu.memory_space<hbm>>
      %dma_start3A_30 = arith.constant 0 : i32
      %dma_start3A_31 = arith.constant 0 : i32
      %dma_start3A_32 = tpu.memref_slice %arg3[%add3A, %dma_start3A_30, %dma_start3A_31] : memref<32x125x80xi32, #tpu.memory_space<hbm>> -> memref<1x125x80xi32, #tpu.memory_space<hbm>>
      %dma_start3A_33 = tpu.memref_squeeze %dma_start3A_32 : memref<1x125x80xi32, #tpu.memory_space<hbm>> -> memref<125x80xi32, #tpu.memory_space<hbm>>
      tpu.enqueue_dma source(%dma_start3A_33 : memref<125x80xi32, #tpu.memory_space<hbm>>) target(%arg6 : memref<125x80xi32, #tpu.memory_space<vmem>>) target_semaphore(%run_scoped3A : memref<!tpu.dma_semaphore, #tpu.memory_space<semaphore_mem>>)
      %dma_wait3A = arith.constant 0 : i32
      %dma_wait3A_34 = arith.constant 0 : i32
      %dma_wait3A_35 = tpu.memref_slice %arg3[%add3A, %dma_wait3A, %dma_wait3A_34] : memref<32x125x80xi32, #tpu.memory_space<hbm>> -> memref<1x125x80xi32, #tpu.memory_space<hbm>>
      %dma_wait3A_36 = tpu.memref_squeeze %dma_wait3A_35 : memref<1x125x80xi32, #tpu.memory_space<hbm>> -> memref<125x80xi32, #tpu.memory_space<hbm>>
      %dma_wait3A_37 = arith.constant 0 : i32
      %dma_wait3A_38 = arith.constant 0 : i32
      %dma_wait3A_39 = tpu.memref_slice %arg3[%add3A, %dma_wait3A_37, %dma_wait3A_38] : memref<32x125x80xi32, #tpu.memory_space<hbm>> -> memref<1x125x80xi32, #tpu.memory_space<hbm>>
      %dma_wait3A_40 = tpu.memref_squeeze %dma_wait3A_39 : memref<1x125x80xi32, #tpu.memory_space<hbm>> -> memref<125x80xi32, #tpu.memory_space<hbm>>
      tpu.wait_dma2 semaphore(%run_scoped3A : memref<!tpu.dma_semaphore, #tpu.memory_space<semaphore_mem>>) src(%dma_wait3A_40 : memref<125x80xi32, #tpu.memory_space<hbm>>) dst(%arg6 : memref<125x80xi32, #tpu.memory_space<vmem>>)
      tpu.yield
    }) : () -> ()
    "tpu.region"() ({
      %run_scoped3A = tpu.sem_alloc : memref<!tpu.dma_semaphore, #tpu.memory_space<semaphore_mem>>
      %dma_start3A_26 = arith.constant 0 : i32
      %dma_start3A_27 = arith.constant 0 : i32
      %dma_start3A_28 = tpu.memref_slice %arg4[%add3A, %dma_start3A_26, %dma_start3A_27] : memref<32x125x80xi32, #tpu.memory_space<hbm>> -> memref<1x125x80xi32, #tpu.memory_space<hbm>>
      %dma_start3A_29 = tpu.memref_squeeze %dma_start3A_28 : memref<1x125x80xi32, #tpu.memory_space<hbm>> -> memref<125x80xi32, #tpu.memory_space<hbm>>
      %dma_start3A_30 = arith.constant 0 : i32
      %dma_start3A_31 = arith.constant 0 : i32
      %dma_start3A_32 = tpu.memref_slice %arg4[%add3A, %dma_start3A_30, %dma_start3A_31] : memref<32x125x80xi32, #tpu.memory_space<hbm>> -> memref<1x125x80xi32, #tpu.memory_space<hbm>>
      %dma_start3A_33 = tpu.memref_squeeze %dma_start3A_32 : memref<1x125x80xi32, #tpu.memory_space<hbm>> -> memref<125x80xi32, #tpu.memory_space<hbm>>
      tpu.enqueue_dma source(%dma_start3A_33 : memref<125x80xi32, #tpu.memory_space<hbm>>) target(%arg7 : memref<125x80xi32, #tpu.memory_space<vmem>>) target_semaphore(%run_scoped3A : memref<!tpu.dma_semaphore, #tpu.memory_space<semaphore_mem>>)
      %dma_wait3A = arith.constant 0 : i32
      %dma_wait3A_34 = arith.constant 0 : i32
      %dma_wait3A_35 = tpu.memref_slice %arg4[%add3A, %dma_wait3A, %dma_wait3A_34] : memref<32x125x80xi32, #tpu.memory_space<hbm>> -> memref<1x125x80xi32, #tpu.memory_space<hbm>>
      %dma_wait3A_36 = tpu.memref_squeeze %dma_wait3A_35 : memref<1x125x80xi32, #tpu.memory_space<hbm>> -> memref<125x80xi32, #tpu.memory_space<hbm>>
      %dma_wait3A_37 = arith.constant 0 : i32
      %dma_wait3A_38 = arith.constant 0 : i32
      %dma_wait3A_39 = tpu.memref_slice %arg4[%add3A, %dma_wait3A_37, %dma_wait3A_38] : memref<32x125x80xi32, #tpu.memory_space<hbm>> -> memref<1x125x80xi32, #tpu.memory_space<hbm>>
      %dma_wait3A_40 = tpu.memref_squeeze %dma_wait3A_39 : memref<1x125x80xi32, #tpu.memory_space<hbm>> -> memref<125x80xi32, #tpu.memory_space<hbm>>
      tpu.wait_dma2 semaphore(%run_scoped3A : memref<!tpu.dma_semaphore, #tpu.memory_space<semaphore_mem>>) src(%dma_wait3A_40 : memref<125x80xi32, #tpu.memory_space<hbm>>) dst(%arg7 : memref<125x80xi32, #tpu.memory_space<vmem>>)
      tpu.yield
    }) : () -> ()
    %scan3A = arith.constant 0 : i32
    %scan3A_1 = arith.constant 79 : i32
    %scan3A_2 = arith.addi %scan3A, %scan3A_1 : i32
    %scan3A_3 = arith.constant 1 : i32
    scf.for %scan3A_26 = %scan3A to %scan3A_2 step %scan3A_3  : i32 {
      %mul3A_27 = arith.constant 1 : i32
      %mul3A_28 = arith.muli %scan3A_26, %mul3A_27 : i32
      %add3A_29 = arith.constant 0 : i32
      %add3A_30 = arith.addi %add3A_29, %mul3A_28 : i32
      %scan3A_31 = arith.constant 0 : i32
      %scan3A_32 = arith.constant 4 : i32
      %scan3A_33 = arith.addi %scan3A_31, %scan3A_32 : i32
      %scan3A_34 = arith.constant 1 : i32
      scf.for %scan3A_36 = %scan3A_31 to %scan3A_33 step %scan3A_34  : i32 {
        %mul3A_37 = arith.constant 16 : i32
        %mul3A_38 = arith.muli %scan3A_36, %mul3A_37 : i32
        %add3A_39 = arith.constant 0 : i32
        %add3A_40 = arith.addi %add3A_39, %mul3A_38 : i32
        %broadcast_in_dim3A = arith.constant 0.000000e+00 : f32
        %broadcast_in_dim3A_41 = vector.broadcast %broadcast_in_dim3A : f32 to vector<16xf32>
        %swap3A = arith.index_cast %add3A_30 : i32 to index
        %swap3A_42 = arith.index_cast %add3A_40 : i32 to index
        %swap3A_43 = tpu.vector_load %arg10[%swap3A, %swap3A_42] {strides = array<i32>} : memref<79x64xf32, #tpu.memory_space<vmem>>, vector<1x16xf32>,
        %swap3A_44 = vector.shape_cast %swap3A_43 : vector<1x16xf32> to vector<16xf32>
        %swap3A_45 = vector.shape_cast %broadcast_in_dim3A_41 : vector<16xf32> to vector<1x16xf32>
        tpu.vector_store %arg10[%swap3A, %swap3A_42], %swap3A_45 {strides = array<i32>} : memref<79x64xf32, #tpu.memory_space<vmem>>, vector<1x16xf32>,
      }
      %scan3A_35 = arith.constant 4 : i32
    }
    %scan3A_4 = arith.constant 79 : i32
    %scan3A_5 = arith.constant 0 : i32
    %scan3A_6 = arith.constant 8 : i32
    %scan3A_7 = arith.addi %scan3A_5, %scan3A_6 : i32
    %scan3A_8 = arith.constant 1 : i32
    scf.for %scan3A_26 = %scan3A_5 to %scan3A_7 step %scan3A_8  : i32 {
      %mul3A_27 = arith.constant 1 : i32
      %mul3A_28 = arith.muli %scan3A_26, %mul3A_27 : i32
      %add3A_29 = arith.constant 0 : i32
      %add3A_30 = arith.addi %add3A_29, %mul3A_28 : i32
      %mul3A_31 = arith.constant 632 : i32
      %mul3A_32 = arith.muli %arg1, %mul3A_31 : i32
      %mul3A_33 = arith.constant 79 : i32
      %mul3A_34 = arith.muli %add3A_30, %mul3A_33 : i32
      %add3A_35 = arith.addi %mul3A_32, %mul3A_34 : i32
      "tpu.region"() ({
        %run_scoped3A = tpu.sem_alloc : memref<!tpu.dma_semaphore, #tpu.memory_space<semaphore_mem>>
        %dma_start3A_36 = arith.constant 0 : i32
        %dma_start3A_37 = tpu.memref_slice %arg11[%add3A_35, %dma_start3A_36] : memref<10112x64xf32, #tpu.memory_space<vmem_shared>> -> memref<79x64xf32, #tpu.memory_space<vmem_shared>>
        %dma_start3A_38 = arith.constant 0 : i32
        %dma_start3A_39 = tpu.memref_slice %arg11[%add3A_35, %dma_start3A_38] : memref<10112x64xf32, #tpu.memory_space<vmem_shared>> -> memref<79x64xf32, #tpu.memory_space<vmem_shared>>
        tpu.enqueue_dma source(%arg10 : memref<79x64xf32, #tpu.memory_space<vmem>>) target(%dma_start3A_39 : memref<79x64xf32, #tpu.memory_space<vmem_shared>>) target_semaphore(%run_scoped3A : memref<!tpu.dma_semaphore, #tpu.memory_space<semaphore_mem>>)
        %dma_wait3A = arith.constant 0 : i32
        %dma_wait3A_40 = tpu.memref_slice %arg11[%add3A_35, %dma_wait3A] : memref<10112x64xf32, #tpu.memory_space<vmem_shared>> -> memref<79x64xf32, #tpu.memory_space<vmem_shared>>
        %dma_wait3A_41 = arith.constant 0 : i32
        %dma_wait3A_42 = tpu.memref_slice %arg11[%add3A_35, %dma_wait3A_41] : memref<10112x64xf32, #tpu.memory_space<vmem_shared>> -> memref<79x64xf32, #tpu.memory_space<vmem_shared>>
        tpu.wait_dma2 semaphore(%run_scoped3A : memref<!tpu.dma_semaphore, #tpu.memory_space<semaphore_mem>>) src(%arg10 : memref<79x64xf32, #tpu.memory_space<vmem>>) dst(%dma_wait3A_42 : memref<79x64xf32, #tpu.memory_space<vmem_shared>>)
        tpu.yield
      }) : () -> ()
    }
    %scan3A_9 = arith.constant 8 : i32
    %barrier3A = arith.constant 0 : index
    tpu.barrier barrier_id(%barrier3A)
    %dma_start3A = arith.constant 0 : i32
    %dma_start3A_10 = arith.constant 0 : i32
    %dma_start3A_11 = tpu.memref_slice %arg6[%dma_start3A, %dma_start3A_10] : memref<125x80xi32, #tpu.memory_space<vmem>> -> memref<1x80xi32, #tpu.memory_space<vmem>>
    %dma_start3A_12 = tpu.memref_squeeze %dma_start3A_11 : memref<1x80xi32, #tpu.memory_space<vmem>> -> memref<80xi32, #tpu.memory_space<vmem>>
    %dma_start3A_13 = arith.constant 0 : i32
    %dma_start3A_14 = arith.constant 0 : i32
    %dma_start3A_15 = tpu.memref_slice %arg2[%dma_start3A_13, %dma_start3A_14] : memref<10000x64xf32, #tpu.memory_space<hbm>> -> memref<10000x64xf32, #tpu.memory_space<hbm>>
    tpu.enqueue_indirect_dma source(%dma_start3A_15 : memref<10000x64xf32, #tpu.memory_space<hbm>>) target(%arg8 : memref<80x64xf32, #tpu.memory_space<vmem>>) offsets(%dma_start3A_12 : memref<80xi32, #tpu.memory_space<vmem>>) semaphore(%arg12 : memref<!tpu.dma_semaphore, #tpu.memory_space<semaphore_mem>>)
    %scan3A_16 = arith.constant 0 : i32
    %scan3A_17 = arith.constant 63 : i32
    %scan3A_18 = arith.addi %scan3A_16, %scan3A_17 : i32
    %scan3A_19 = arith.constant 1 : i32
    scf.for %scan3A_26 = %scan3A_16 to %scan3A_18 step %scan3A_19  : i32 {
      %mul3A_27 = arith.constant 2 : i32
      %mul3A_28 = arith.muli %scan3A_26, %mul3A_27 : i32
      %add3A_29 = arith.constant 0 : i32
      %add3A_30 = arith.addi %add3A_29, %mul3A_28 : i32
      %add3A_31 = arith.constant 1 : i32
      %add3A_32 = arith.addi %add3A_30, %add3A_31 : i32
      %lt3A = arith.constant 125 : i32
      %lt3A_33 = arith.cmpi slt, %add3A_32, %lt3A : i32
      %convert_element_type3A = arith.extui %lt3A_33 : i1 to i32
      %cond3A = arith.constant 0 : i32
      %cond3A_34 = arith.cmpi ne, %convert_element_type3A, %cond3A : i32
      scf.if %cond3A_34 {
        %add3A_55 = arith.constant 1 : i32
        %add3A_56 = arith.addi %add3A_30, %add3A_55 : i32
        %dma_start3A_57 = arith.constant 0 : i32
        %dma_start3A_58 = tpu.memref_slice %arg6[%add3A_56, %dma_start3A_57] : memref<125x80xi32, #tpu.memory_space<vmem>> -> memref<1x80xi32, #tpu.memory_space<vmem>>
        %dma_start3A_59 = tpu.memref_squeeze %dma_start3A_58 : memref<1x80xi32, #tpu.memory_space<vmem>> -> memref<80xi32, #tpu.memory_space<vmem>>
        %dma_start3A_60 = arith.constant 0 : i32
        %dma_start3A_61 = arith.constant 0 : i32
        %dma_start3A_62 = tpu.memref_slice %arg2[%dma_start3A_60, %dma_start3A_61] : memref<10000x64xf32, #tpu.memory_space<hbm>> -> memref<10000x64xf32, #tpu.memory_space<hbm>>
        tpu.enqueue_indirect_dma source(%dma_start3A_62 : memref<10000x64xf32, #tpu.memory_space<hbm>>) target(%arg9 : memref<80x64xf32, #tpu.memory_space<vmem>>) offsets(%dma_start3A_59 : memref<80xi32, #tpu.memory_space<vmem>>) semaphore(%arg13 : memref<!tpu.dma_semaphore, #tpu.memory_space<semaphore_mem>>)
      } else {
      }
      %dma_wait3A = arith.constant 0 : i32
      %dma_wait3A_35 = arith.constant 0 : i32
      %dma_wait3A_36 = tpu.memref_slice %arg6[%dma_wait3A, %dma_wait3A_35] : memref<125x80xi32, #tpu.memory_space<vmem>> -> memref<1x80xi32, #tpu.memory_space<vmem>>
      %dma_wait3A_37 = tpu.memref_squeeze %dma_wait3A_36 : memref<1x80xi32, #tpu.memory_space<vmem>> -> memref<80xi32, #tpu.memory_space<vmem>>
      %dma_wait3A_38 = arith.constant 0 : i32
      %dma_wait3A_39 = arith.constant 0 : i32
      %dma_wait3A_40 = tpu.memref_slice %arg2[%dma_wait3A_38, %dma_wait3A_39] : memref<10000x64xf32, #tpu.memory_space<hbm>> -> memref<10000x64xf32, #tpu.memory_space<hbm>>
      tpu.wait_indirect_dma semaphore(%arg12 : memref<!tpu.dma_semaphore, #tpu.memory_space<semaphore_mem>>) src(%dma_wait3A_40 : memref<10000x64xf32, #tpu.memory_space<hbm>>) dst(%arg8 : memref<80x64xf32, #tpu.memory_space<vmem>>)
      "tpu.region"() ({
        %run_scoped3A = tpu.sem_alloc : memref<!tpu.dma_semaphore, #tpu.memory_space<semaphore_mem>>
        %dma_start3A_55 = arith.constant 0 : i32
        %dma_start3A_56 = tpu.memref_slice %arg7[%add3A_30, %dma_start3A_55] : memref<125x80xi32, #tpu.memory_space<vmem>> -> memref<1x80xi32, #tpu.memory_space<vmem>>
        %dma_start3A_57 = tpu.memref_squeeze %dma_start3A_56 : memref<1x80xi32, #tpu.memory_space<vmem>> -> memref<80xi32, #tpu.memory_space<vmem>>
        %dma_start3A_58 = arith.constant 0 : i32
        %dma_start3A_59 = arith.constant 0 : i32
        %dma_start3A_60 = tpu.memref_slice %arg11[%dma_start3A_58, %dma_start3A_59] : memref<10112x64xf32, #tpu.memory_space<vmem_shared>> -> memref<10112x64xf32, #tpu.memory_space<vmem_shared>>
        tpu.enqueue_indirect_dma source(%arg8 : memref<80x64xf32, #tpu.memory_space<vmem>>) target(%dma_start3A_60 : memref<10112x64xf32, #tpu.memory_space<vmem_shared>>) offsets(%dma_start3A_57 : memref<80xi32, #tpu.memory_space<vmem>>) semaphore(%run_scoped3A : memref<!tpu.dma_semaphore, #tpu.memory_space<semaphore_mem>>) {add = true}
        %dma_wait3A_61 = arith.constant 0 : i32
        %dma_wait3A_62 = tpu.memref_slice %arg7[%add3A_30, %dma_wait3A_61] : memref<125x80xi32, #tpu.memory_space<vmem>> -> memref<1x80xi32, #tpu.memory_space<vmem>>
        %dma_wait3A_63 = tpu.memref_squeeze %dma_wait3A_62 : memref<1x80xi32, #tpu.memory_space<vmem>> -> memref<80xi32, #tpu.memory_space<vmem>>
        %dma_wait3A_64 = arith.constant 0 : i32
        %dma_wait3A_65 = arith.constant 0 : i32
        %dma_wait3A_66 = tpu.memref_slice %arg11[%dma_wait3A_64, %dma_wait3A_65] : memref<10112x64xf32, #tpu.memory_space<vmem_shared>> -> memref<10112x64xf32, #tpu.memory_space<vmem_shared>>
        tpu.wait_indirect_dma semaphore(%run_scoped3A : memref<!tpu.dma_semaphore, #tpu.memory_space<semaphore_mem>>) src(%arg8 : memref<80x64xf32, #tpu.memory_space<vmem>>) dst(%dma_wait3A_66 : memref<10112x64xf32, #tpu.memory_space<vmem_shared>>)
        tpu.yield
      }) : () -> ()
      %add3A_41 = arith.constant 2 : i32
      %add3A_42 = arith.addi %add3A_30, %add3A_41 : i32
      %lt3A_43 = arith.constant 125 : i32
      %lt3A_44 = arith.cmpi slt, %add3A_42, %lt3A_43 : i32
      %convert_element_type3A_45 = arith.extui %lt3A_44 : i1 to i32
      %cond3A_46 = arith.constant 0 : i32
      %cond3A_47 = arith.cmpi ne, %convert_element_type3A_45, %cond3A_46 : i32
      scf.if %cond3A_47 {
        %add3A_55 = arith.constant 2 : i32
        %add3A_56 = arith.addi %add3A_30, %add3A_55 : i32
        %dma_start3A_57 = arith.constant 0 : i32
        %dma_start3A_58 = tpu.memref_slice %arg6[%add3A_56, %dma_start3A_57] : memref<125x80xi32, #tpu.memory_space<vmem>> -> memref<1x80xi32, #tpu.memory_space<vmem>>
        %dma_start3A_59 = tpu.memref_squeeze %dma_start3A_58 : memref<1x80xi32, #tpu.memory_space<vmem>> -> memref<80xi32, #tpu.memory_space<vmem>>
        %dma_start3A_60 = arith.constant 0 : i32
        %dma_start3A_61 = arith.constant 0 : i32
        %dma_start3A_62 = tpu.memref_slice %arg2[%dma_start3A_60, %dma_start3A_61] : memref<10000x64xf32, #tpu.memory_space<hbm>> -> memref<10000x64xf32, #tpu.memory_space<hbm>>
        tpu.enqueue_indirect_dma source(%dma_start3A_62 : memref<10000x64xf32, #tpu.memory_space<hbm>>) target(%arg8 : memref<80x64xf32, #tpu.memory_space<vmem>>) offsets(%dma_start3A_59 : memref<80xi32, #tpu.memory_space<vmem>>) semaphore(%arg12 : memref<!tpu.dma_semaphore, #tpu.memory_space<semaphore_mem>>)
      } else {
      }
      %add3A_48 = arith.constant 1 : i32
      %add3A_49 = arith.addi %add3A_30, %add3A_48 : i32
      %lt3A_50 = arith.constant 125 : i32
      %lt3A_51 = arith.cmpi slt, %add3A_49, %lt3A_50 : i32
      %convert_element_type3A_52 = arith.extui %lt3A_51 : i1 to i32
      %cond3A_53 = arith.constant 0 : i32
      %cond3A_54 = arith.cmpi ne, %convert_element_type3A_52, %cond3A_53 : i32
      scf.if %cond3A_54 {
        %dma_wait3A_55 = arith.constant 0 : i32
        %dma_wait3A_56 = arith.constant 0 : i32
        %dma_wait3A_57 = tpu.memref_slice %arg6[%dma_wait3A_55, %dma_wait3A_56] : memref<125x80xi32, #tpu.memory_space<vmem>> -> memref<1x80xi32, #tpu.memory_space<vmem>>
        %dma_wait3A_58 = tpu.memref_squeeze %dma_wait3A_57 : memref<1x80xi32, #tpu.memory_space<vmem>> -> memref<80xi32, #tpu.memory_space<vmem>>
        %dma_wait3A_59 = arith.constant 0 : i32
        %dma_wait3A_60 = arith.constant 0 : i32
        %dma_wait3A_61 = tpu.memref_slice %arg2[%dma_wait3A_59, %dma_wait3A_60] : memref<10000x64xf32, #tpu.memory_space<hbm>> -> memref<10000x64xf32, #tpu.memory_space<hbm>>
        tpu.wait_indirect_dma semaphore(%arg13 : memref<!tpu.dma_semaphore, #tpu.memory_space<semaphore_mem>>) src(%dma_wait3A_61 : memref<10000x64xf32, #tpu.memory_space<hbm>>) dst(%arg9 : memref<80x64xf32, #tpu.memory_space<vmem>>)
        %add3A_62 = arith.constant 1 : i32
        %add3A_63 = arith.addi %add3A_30, %add3A_62 : i32
        "tpu.region"() ({
          %run_scoped3A = tpu.sem_alloc : memref<!tpu.dma_semaphore, #tpu.memory_space<semaphore_mem>>
          %dma_start3A_64 = arith.constant 0 : i32
          %dma_start3A_65 = tpu.memref_slice %arg7[%add3A_63, %dma_start3A_64] : memref<125x80xi32, #tpu.memory_space<vmem>> -> memref<1x80xi32, #tpu.memory_space<vmem>>
          %dma_start3A_66 = tpu.memref_squeeze %dma_start3A_65 : memref<1x80xi32, #tpu.memory_space<vmem>> -> memref<80xi32, #tpu.memory_space<vmem>>
          %dma_start3A_67 = arith.constant 0 : i32
          %dma_start3A_68 = arith.constant 0 : i32
          %dma_start3A_69 = tpu.memref_slice %arg11[%dma_start3A_67, %dma_start3A_68] : memref<10112x64xf32, #tpu.memory_space<vmem_shared>> -> memref<10112x64xf32, #tpu.memory_space<vmem_shared>>
          tpu.enqueue_indirect_dma source(%arg9 : memref<80x64xf32, #tpu.memory_space<vmem>>) target(%dma_start3A_69 : memref<10112x64xf32, #tpu.memory_space<vmem_shared>>) offsets(%dma_start3A_66 : memref<80xi32, #tpu.memory_space<vmem>>) semaphore(%run_scoped3A : memref<!tpu.dma_semaphore, #tpu.memory_space<semaphore_mem>>) {add = true}
          %dma_wait3A_70 = arith.constant 0 : i32
          %dma_wait3A_71 = tpu.memref_slice %arg7[%add3A_63, %dma_wait3A_70] : memref<125x80xi32, #tpu.memory_space<vmem>> -> memref<1x80xi32, #tpu.memory_space<vmem>>
          %dma_wait3A_72 = tpu.memref_squeeze %dma_wait3A_71 : memref<1x80xi32, #tpu.memory_space<vmem>> -> memref<80xi32, #tpu.memory_space<vmem>>
          %dma_wait3A_73 = arith.constant 0 : i32
          %dma_wait3A_74 = arith.constant 0 : i32
          %dma_wait3A_75 = tpu.memref_slice %arg11[%dma_wait3A_73, %dma_wait3A_74] : memref<10112x64xf32, #tpu.memory_space<vmem_shared>> -> memref<10112x64xf32, #tpu.memory_space<vmem_shared>>
          tpu.wait_indirect_dma semaphore(%run_scoped3A : memref<!tpu.dma_semaphore, #tpu.memory_space<semaphore_mem>>) src(%arg9 : memref<80x64xf32, #tpu.memory_space<vmem>>) dst(%dma_wait3A_75 : memref<10112x64xf32, #tpu.memory_space<vmem_shared>>)
          tpu.yield
        }) : () -> ()
      } else {
      }
    }
    %scan3A_20 = arith.constant 63 : i32
    %barrier3A_21 = arith.constant 0 : index
    tpu.barrier barrier_id(%barrier3A_21)
    %mul3A_22 = arith.constant 632 : i32
    %mul3A_23 = arith.muli %arg1, %mul3A_22 : i32
    %mul3A_24 = arith.constant 632 : i32
    %mul3A_25 = arith.muli %arg1, %mul3A_24 : i32
    "tpu.region"() ({
      %run_scoped3A = tpu.sem_alloc : memref<!tpu.dma_semaphore, #tpu.memory_space<semaphore_mem>>
      %dma_start3A_26 = arith.constant 0 : i32
      %dma_start3A_27 = arith.constant 0 : i32
      %dma_start3A_28 = tpu.memref_slice %arg5[%arg0, %dma_start3A_26, %dma_start3A_27] : memref<2x10112x64xf32, #tpu.memory_space<hbm>> -> memref<1x10112x64xf32, #tpu.memory_space<hbm>>
      %dma_start3A_29 = tpu.memref_squeeze %dma_start3A_28 : memref<1x10112x64xf32, #tpu.memory_space<hbm>> -> memref<10112x64xf32, #tpu.memory_space<hbm>>
      %dma_start3A_30 = arith.constant 0 : i32
      %dma_start3A_31 = tpu.memref_slice %dma_start3A_29[%mul3A_25, %dma_start3A_30] : memref<10112x64xf32, #tpu.memory_space<hbm>> -> memref<632x64xf32, #tpu.memory_space<hbm>>
      %dma_start3A_32 = arith.constant 0 : i32
      %dma_start3A_33 = tpu.memref_slice %arg11[%mul3A_23, %dma_start3A_32] : memref<10112x64xf32, #tpu.memory_space<vmem_shared>> -> memref<632x64xf32, #tpu.memory_space<vmem_shared>>
      tpu.enqueue_dma source(%dma_start3A_33 : memref<632x64xf32, #tpu.memory_space<vmem_shared>>) target(%dma_start3A_31 : memref<632x64xf32, #tpu.memory_space<hbm>>) target_semaphore(%run_scoped3A : memref<!tpu.dma_semaphore, #tpu.memory_space<semaphore_mem>>)
      %dma_wait3A = arith.constant 0 : i32
      %dma_wait3A_34 = arith.constant 0 : i32
      %dma_wait3A_35 = tpu.memref_slice %arg5[%arg0, %dma_wait3A, %dma_wait3A_34] : memref<2x10112x64xf32, #tpu.memory_space<hbm>> -> memref<1x10112x64xf32, #tpu.memory_space<hbm>>
      %dma_wait3A_36 = tpu.memref_squeeze %dma_wait3A_35 : memref<1x10112x64xf32, #tpu.memory_space<hbm>> -> memref<10112x64xf32, #tpu.memory_space<hbm>>
      %dma_wait3A_37 = arith.constant 0 : i32
      %dma_wait3A_38 = tpu.memref_slice %dma_wait3A_36[%mul3A_25, %dma_wait3A_37] : memref<10112x64xf32, #tpu.memory_space<hbm>> -> memref<632x64xf32, #tpu.memory_space<hbm>>
      %dma_wait3A_39 = arith.constant 0 : i32
      %dma_wait3A_40 = tpu.memref_slice %arg11[%mul3A_23, %dma_wait3A_39] : memref<10112x64xf32, #tpu.memory_space<vmem_shared>> -> memref<632x64xf32, #tpu.memory_space<vmem_shared>>
      tpu.wait_dma2 semaphore(%run_scoped3A : memref<!tpu.dma_semaphore, #tpu.memory_space<semaphore_mem>>) src(%dma_wait3A_40 : memref<632x64xf32, #tpu.memory_space<vmem_shared>>) dst(%dma_wait3A_38 : memref<632x64xf32, #tpu.memory_space<hbm>>)
      tpu.yield
    }) : () -> ()
    return
  }
}

#map = affine_map<(d0, d1) -> (0, 0)>
#map1 = affine_map<(d0, d1) -> (0, 0, 0)>
module attributes {stable_mosaic.version = 14 : i64} {
  func.func @seg(%arg0: i32, %arg1: i32, %arg2: memref<10000x64xf32, #tpu.memory_space<hbm>>, %arg3: memref<32x125x80xi32, #tpu.memory_space<hbm>>, %arg4: memref<32x125x80xi32, #tpu.memory_space<hbm>>, %arg5: memref<2x10112x64xf32, #tpu.memory_space<hbm>>, %arg6: memref<125x80xi32, #tpu.memory_space<vmem>>, %arg7: memref<125x80xi32, #tpu.memory_space<vmem>>, %arg8: memref<80x64xf32, #tpu.memory_space<vmem>>, %arg9: memref<80x64xf32, #tpu.memory_space<vmem>>, %arg10: memref<79x64xf32, #tpu.memory_space<vmem>>, %arg11: memref<10112x64xf32, #tpu.memory_space<vmem_shared>>, %arg12: memref<!tpu.dma_semaphore, #tpu.memory_space<semaphore_mem>>, %arg13: memref<!tpu.dma_semaphore, #tpu.memory_space<semaphore_mem>>) attributes {dimension_semantics = [#tpu.dimension_semantics<core_parallel>, #tpu.dimension_semantics<subcore_parallel>], iteration_bounds = array<i64: 2, 16>, scalar_prefetch = 0 : i64, scratch_operands = 8 : i64, tpu.core_type = #tpu.core_type<sc_vector_subcore>, window_params = [{transform_indices = #map}, {transform_indices = #map1}, {transform_indices = #map1}, {transform_indices = #map1}]} {
    %mul3A = arith.constant 16 : i32
    %mul3A_0 = arith.muli %arg0, %mul3A : i32
    %add3A = arith.addi %mul3A_0, %arg1 : i32
    "tpu.region"() ({
      %run_scoped3A = tpu.sem_alloc : memref<!tpu.dma_semaphore, #tpu.memory_space<semaphore_mem>>
      %dma_start3A_26 = arith.constant 0 : i32
      %dma_start3A_27 = arith.constant 0 : i32
      %dma_start3A_28 = tpu.memref_slice %arg3[%add3A, %dma_start3A_26, %dma_start3A_27] : memref<32x125x80xi32, #tpu.memory_space<hbm>> -> memref<1x125x80xi32, #tpu.memory_space<hbm>>
      %dma_start3A_29 = tpu.memref_squeeze %dma_start3A_28 : memref<1x125x80xi32, #tpu.memory_space<hbm>> -> memref<125x80xi32, #tpu.memory_space<hbm>>
      %dma_start3A_30 = arith.constant 0 : i32
      %dma_start3A_31 = arith.constant 0 : i32
      %dma_start3A_32 = tpu.memref_slice %arg3[%add3A, %dma_start3A_30, %dma_start3A_31] : memref<32x125x80xi32, #tpu.memory_space<hbm>> -> memref<1x125x80xi32, #tpu.memory_space<hbm>>
      %dma_start3A_33 = tpu.memref_squeeze %dma_start3A_32 : memref<1x125x80xi32, #tpu.memory_space<hbm>> -> memref<125x80xi32, #tpu.memory_space<hbm>>
      tpu.enqueue_dma source(%dma_start3A_33 : memref<125x80xi32, #tpu.memory_space<hbm>>) target(%arg6 : memref<125x80xi32, #tpu.memory_space<vmem>>) target_semaphore(%run_scoped3A : memref<!tpu.dma_semaphore, #tpu.memory_space<semaphore_mem>>)
      %dma_wait3A = arith.constant 0 : i32
      %dma_wait3A_34 = arith.constant 0 : i32
      %dma_wait3A_35 = tpu.memref_slice %arg3[%add3A, %dma_wait3A, %dma_wait3A_34] : memref<32x125x80xi32, #tpu.memory_space<hbm>> -> memref<1x125x80xi32, #tpu.memory_space<hbm>>
      %dma_wait3A_36 = tpu.memref_squeeze %dma_wait3A_35 : memref<1x125x80xi32, #tpu.memory_space<hbm>> -> memref<125x80xi32, #tpu.memory_space<hbm>>
      %dma_wait3A_37 = arith.constant 0 : i32
      %dma_wait3A_38 = arith.constant 0 : i32
      %dma_wait3A_39 = tpu.memref_slice %arg3[%add3A, %dma_wait3A_37, %dma_wait3A_38] : memref<32x125x80xi32, #tpu.memory_space<hbm>> -> memref<1x125x80xi32, #tpu.memory_space<hbm>>
      %dma_wait3A_40 = tpu.memref_squeeze %dma_wait3A_39 : memref<1x125x80xi32, #tpu.memory_space<hbm>> -> memref<125x80xi32, #tpu.memory_space<hbm>>
      tpu.wait_dma2 semaphore(%run_scoped3A : memref<!tpu.dma_semaphore, #tpu.memory_space<semaphore_mem>>) src(%dma_wait3A_40 : memref<125x80xi32, #tpu.memory_space<hbm>>) dst(%arg6 : memref<125x80xi32, #tpu.memory_space<vmem>>)
      tpu.yield
    }) : () -> ()
    "tpu.region"() ({
      %run_scoped3A = tpu.sem_alloc : memref<!tpu.dma_semaphore, #tpu.memory_space<semaphore_mem>>
      %dma_start3A_26 = arith.constant 0 : i32
      %dma_start3A_27 = arith.constant 0 : i32
      %dma_start3A_28 = tpu.memref_slice %arg4[%add3A, %dma_start3A_26, %dma_start3A_27] : memref<32x125x80xi32, #tpu.memory_space<hbm>> -> memref<1x125x80xi32, #tpu.memory_space<hbm>>
      %dma_start3A_29 = tpu.memref_squeeze %dma_start3A_28 : memref<1x125x80xi32, #tpu.memory_space<hbm>> -> memref<125x80xi32, #tpu.memory_space<hbm>>
      %dma_start3A_30 = arith.constant 0 : i32
      %dma_start3A_31 = arith.constant 0 : i32
      %dma_start3A_32 = tpu.memref_slice %arg4[%add3A, %dma_start3A_30, %dma_start3A_31] : memref<32x125x80xi32, #tpu.memory_space<hbm>> -> memref<1x125x80xi32, #tpu.memory_space<hbm>>
      %dma_start3A_33 = tpu.memref_squeeze %dma_start3A_32 : memref<1x125x80xi32, #tpu.memory_space<hbm>> -> memref<125x80xi32, #tpu.memory_space<hbm>>
      tpu.enqueue_dma source(%dma_start3A_33 : memref<125x80xi32, #tpu.memory_space<hbm>>) target(%arg7 : memref<125x80xi32, #tpu.memory_space<vmem>>) target_semaphore(%run_scoped3A : memref<!tpu.dma_semaphore, #tpu.memory_space<semaphore_mem>>)
      %dma_wait3A = arith.constant 0 : i32
      %dma_wait3A_34 = arith.constant 0 : i32
      %dma_wait3A_35 = tpu.memref_slice %arg4[%add3A, %dma_wait3A, %dma_wait3A_34] : memref<32x125x80xi32, #tpu.memory_space<hbm>> -> memref<1x125x80xi32, #tpu.memory_space<hbm>>
      %dma_wait3A_36 = tpu.memref_squeeze %dma_wait3A_35 : memref<1x125x80xi32, #tpu.memory_space<hbm>> -> memref<125x80xi32, #tpu.memory_space<hbm>>
      %dma_wait3A_37 = arith.constant 0 : i32
      %dma_wait3A_38 = arith.constant 0 : i32
      %dma_wait3A_39 = tpu.memref_slice %arg4[%add3A, %dma_wait3A_37, %dma_wait3A_38] : memref<32x125x80xi32, #tpu.memory_space<hbm>> -> memref<1x125x80xi32, #tpu.memory_space<hbm>>
      %dma_wait3A_40 = tpu.memref_squeeze %dma_wait3A_39 : memref<1x125x80xi32, #tpu.memory_space<hbm>> -> memref<125x80xi32, #tpu.memory_space<hbm>>
      tpu.wait_dma2 semaphore(%run_scoped3A : memref<!tpu.dma_semaphore, #tpu.memory_space<semaphore_mem>>) src(%dma_wait3A_40 : memref<125x80xi32, #tpu.memory_space<hbm>>) dst(%arg7 : memref<125x80xi32, #tpu.memory_space<vmem>>)
      tpu.yield
    }) : () -> ()
    %scan3A = arith.constant 0 : i32
    %scan3A_1 = arith.constant 79 : i32
    %scan3A_2 = arith.addi %scan3A, %scan3A_1 : i32
    %scan3A_3 = arith.constant 1 : i32
    scf.for %scan3A_26 = %scan3A to %scan3A_2 step %scan3A_3  : i32 {
      %mul3A_27 = arith.constant 1 : i32
      %mul3A_28 = arith.muli %scan3A_26, %mul3A_27 : i32
      %add3A_29 = arith.constant 0 : i32
      %add3A_30 = arith.addi %add3A_29, %mul3A_28 : i32
      %scan3A_31 = arith.constant 0 : i32
      %scan3A_32 = arith.constant 4 : i32
      %scan3A_33 = arith.addi %scan3A_31, %scan3A_32 : i32
      %scan3A_34 = arith.constant 1 : i32
      scf.for %scan3A_36 = %scan3A_31 to %scan3A_33 step %scan3A_34  : i32 {
        %mul3A_37 = arith.constant 16 : i32
        %mul3A_38 = arith.muli %scan3A_36, %mul3A_37 : i32
        %add3A_39 = arith.constant 0 : i32
        %add3A_40 = arith.addi %add3A_39, %mul3A_38 : i32
        %broadcast_in_dim3A = arith.constant 0.000000e+00 : f32
        %broadcast_in_dim3A_41 = vector.broadcast %broadcast_in_dim3A : f32 to vector<16xf32>
        %swap3A = arith.index_cast %add3A_30 : i32 to index
        %swap3A_42 = arith.index_cast %add3A_40 : i32 to index
        %swap3A_43 = tpu.vector_load %arg10[%swap3A, %swap3A_42] {strides = array<i32>} : memref<79x64xf32, #tpu.memory_space<vmem>>, vector<1x16xf32>,
        %swap3A_44 = vector.shape_cast %swap3A_43 : vector<1x16xf32> to vector<16xf32>
        %swap3A_45 = vector.shape_cast %broadcast_in_dim3A_41 : vector<16xf32> to vector<1x16xf32>
        tpu.vector_store %arg10[%swap3A, %swap3A_42], %swap3A_45 {strides = array<i32>} : memref<79x64xf32, #tpu.memory_space<vmem>>, vector<1x16xf32>,
      }
      %scan3A_35 = arith.constant 4 : i32
    }
    %scan3A_4 = arith.constant 79 : i32
    %scan3A_5 = arith.constant 0 : i32
    %scan3A_6 = arith.constant 8 : i32
    %scan3A_7 = arith.addi %scan3A_5, %scan3A_6 : i32
    %scan3A_8 = arith.constant 1 : i32
    scf.for %scan3A_26 = %scan3A_5 to %scan3A_7 step %scan3A_8  : i32 {
      %mul3A_27 = arith.constant 1 : i32
      %mul3A_28 = arith.muli %scan3A_26, %mul3A_27 : i32
      %add3A_29 = arith.constant 0 : i32
      %add3A_30 = arith.addi %add3A_29, %mul3A_28 : i32
      %mul3A_31 = arith.constant 632 : i32
      %mul3A_32 = arith.muli %arg1, %mul3A_31 : i32
      %mul3A_33 = arith.constant 79 : i32
      %mul3A_34 = arith.muli %add3A_30, %mul3A_33 : i32
      %add3A_35 = arith.addi %mul3A_32, %mul3A_34 : i32
      "tpu.region"() ({
        %run_scoped3A = tpu.sem_alloc : memref<!tpu.dma_semaphore, #tpu.memory_space<semaphore_mem>>
        %dma_start3A_36 = arith.constant 0 : i32
        %dma_start3A_37 = tpu.memref_slice %arg11[%add3A_35, %dma_start3A_36] : memref<10112x64xf32, #tpu.memory_space<vmem_shared>> -> memref<79x64xf32, #tpu.memory_space<vmem_shared>>
        %dma_start3A_38 = arith.constant 0 : i32
        %dma_start3A_39 = tpu.memref_slice %arg11[%add3A_35, %dma_start3A_38] : memref<10112x64xf32, #tpu.memory_space<vmem_shared>> -> memref<79x64xf32, #tpu.memory_space<vmem_shared>>
        tpu.enqueue_dma source(%arg10 : memref<79x64xf32, #tpu.memory_space<vmem>>) target(%dma_start3A_39 : memref<79x64xf32, #tpu.memory_space<vmem_shared>>) target_semaphore(%run_scoped3A : memref<!tpu.dma_semaphore, #tpu.memory_space<semaphore_mem>>)
        %dma_wait3A = arith.constant 0 : i32
        %dma_wait3A_40 = tpu.memref_slice %arg11[%add3A_35, %dma_wait3A] : memref<10112x64xf32, #tpu.memory_space<vmem_shared>> -> memref<79x64xf32, #tpu.memory_space<vmem_shared>>
        %dma_wait3A_41 = arith.constant 0 : i32
        %dma_wait3A_42 = tpu.memref_slice %arg11[%add3A_35, %dma_wait3A_41] : memref<10112x64xf32, #tpu.memory_space<vmem_shared>> -> memref<79x64xf32, #tpu.memory_space<vmem_shared>>
        tpu.wait_dma2 semaphore(%run_scoped3A : memref<!tpu.dma_semaphore, #tpu.memory_space<semaphore_mem>>) src(%arg10 : memref<79x64xf32, #tpu.memory_space<vmem>>) dst(%dma_wait3A_42 : memref<79x64xf32, #tpu.memory_space<vmem_shared>>)
        tpu.yield
      }) : () -> ()
    }
    %scan3A_9 = arith.constant 8 : i32
    %barrier3A = arith.constant 0 : index
    tpu.barrier barrier_id(%barrier3A)
    %dma_start3A = arith.constant 0 : i32
    %dma_start3A_10 = arith.constant 0 : i32
    %dma_start3A_11 = tpu.memref_slice %arg6[%dma_start3A, %dma_start3A_10] : memref<125x80xi32, #tpu.memory_space<vmem>> -> memref<1x80xi32, #tpu.memory_space<vmem>>
    %dma_start3A_12 = tpu.memref_squeeze %dma_start3A_11 : memref<1x80xi32, #tpu.memory_space<vmem>> -> memref<80xi32, #tpu.memory_space<vmem>>
    %dma_start3A_13 = arith.constant 0 : i32
    %dma_start3A_14 = arith.constant 0 : i32
    %dma_start3A_15 = tpu.memref_slice %arg2[%dma_start3A_13, %dma_start3A_14] : memref<10000x64xf32, #tpu.memory_space<hbm>> -> memref<10000x64xf32, #tpu.memory_space<hbm>>
    tpu.enqueue_indirect_dma source(%dma_start3A_15 : memref<10000x64xf32, #tpu.memory_space<hbm>>) target(%arg8 : memref<80x64xf32, #tpu.memory_space<vmem>>) offsets(%dma_start3A_12 : memref<80xi32, #tpu.memory_space<vmem>>) semaphore(%arg12 : memref<!tpu.dma_semaphore, #tpu.memory_space<semaphore_mem>>)
    %scan3A_16 = arith.constant 0 : i32
    %scan3A_17 = arith.constant 63 : i32
    %scan3A_18 = arith.addi %scan3A_16, %scan3A_17 : i32
    %scan3A_19 = arith.constant 1 : i32
    scf.for %scan3A_26 = %scan3A_16 to %scan3A_18 step %scan3A_19  : i32 {
      %mul3A_27 = arith.constant 2 : i32
      %mul3A_28 = arith.muli %scan3A_26, %mul3A_27 : i32
      %add3A_29 = arith.constant 0 : i32
      %add3A_30 = arith.addi %add3A_29, %mul3A_28 : i32
      %add3A_31 = arith.constant 1 : i32
      %add3A_32 = arith.addi %add3A_30, %add3A_31 : i32
      %lt3A = arith.constant 125 : i32
      %lt3A_33 = arith.cmpi slt, %add3A_32, %lt3A : i32
      %convert_element_type3A = arith.extui %lt3A_33 : i1 to i32
      %cond3A = arith.constant 0 : i32
      %cond3A_34 = arith.cmpi ne, %convert_element_type3A, %cond3A : i32
      scf.if %cond3A_34 {
        %add3A_55 = arith.constant 1 : i32
        %add3A_56 = arith.addi %add3A_30, %add3A_55 : i32
        %dma_start3A_57 = arith.constant 0 : i32
        %dma_start3A_58 = tpu.memref_slice %arg6[%add3A_56, %dma_start3A_57] : memref<125x80xi32, #tpu.memory_space<vmem>> -> memref<1x80xi32, #tpu.memory_space<vmem>>
        %dma_start3A_59 = tpu.memref_squeeze %dma_start3A_58 : memref<1x80xi32, #tpu.memory_space<vmem>> -> memref<80xi32, #tpu.memory_space<vmem>>
        %dma_start3A_60 = arith.constant 0 : i32
        %dma_start3A_61 = arith.constant 0 : i32
        %dma_start3A_62 = tpu.memref_slice %arg2[%dma_start3A_60, %dma_start3A_61] : memref<10000x64xf32, #tpu.memory_space<hbm>> -> memref<10000x64xf32, #tpu.memory_space<hbm>>
        tpu.enqueue_indirect_dma source(%dma_start3A_62 : memref<10000x64xf32, #tpu.memory_space<hbm>>) target(%arg9 : memref<80x64xf32, #tpu.memory_space<vmem>>) offsets(%dma_start3A_59 : memref<80xi32, #tpu.memory_space<vmem>>) semaphore(%arg13 : memref<!tpu.dma_semaphore, #tpu.memory_space<semaphore_mem>>)
      } else {
      }
      %dma_wait3A = arith.constant 0 : i32
      %dma_wait3A_35 = arith.constant 0 : i32
      %dma_wait3A_36 = tpu.memref_slice %arg6[%dma_wait3A, %dma_wait3A_35] : memref<125x80xi32, #tpu.memory_space<vmem>> -> memref<1x80xi32, #tpu.memory_space<vmem>>
      %dma_wait3A_37 = tpu.memref_squeeze %dma_wait3A_36 : memref<1x80xi32, #tpu.memory_space<vmem>> -> memref<80xi32, #tpu.memory_space<vmem>>
      %dma_wait3A_38 = arith.constant 0 : i32
      %dma_wait3A_39 = arith.constant 0 : i32
      %dma_wait3A_40 = tpu.memref_slice %arg2[%dma_wait3A_38, %dma_wait3A_39] : memref<10000x64xf32, #tpu.memory_space<hbm>> -> memref<10000x64xf32, #tpu.memory_space<hbm>>
      tpu.wait_indirect_dma semaphore(%arg12 : memref<!tpu.dma_semaphore, #tpu.memory_space<semaphore_mem>>) src(%dma_wait3A_40 : memref<10000x64xf32, #tpu.memory_space<hbm>>) dst(%arg8 : memref<80x64xf32, #tpu.memory_space<vmem>>)
      "tpu.region"() ({
        %run_scoped3A = tpu.sem_alloc : memref<!tpu.dma_semaphore, #tpu.memory_space<semaphore_mem>>
        %dma_start3A_55 = arith.constant 0 : i32
        %dma_start3A_56 = tpu.memref_slice %arg7[%add3A_30, %dma_start3A_55] : memref<125x80xi32, #tpu.memory_space<vmem>> -> memref<1x80xi32, #tpu.memory_space<vmem>>
        %dma_start3A_57 = tpu.memref_squeeze %dma_start3A_56 : memref<1x80xi32, #tpu.memory_space<vmem>> -> memref<80xi32, #tpu.memory_space<vmem>>
        %dma_start3A_58 = arith.constant 0 : i32
        %dma_start3A_59 = arith.constant 0 : i32
        %dma_start3A_60 = tpu.memref_slice %arg11[%dma_start3A_58, %dma_start3A_59] : memref<10112x64xf32, #tpu.memory_space<vmem_shared>> -> memref<10112x64xf32, #tpu.memory_space<vmem_shared>>
        tpu.enqueue_indirect_dma source(%arg8 : memref<80x64xf32, #tpu.memory_space<vmem>>) target(%dma_start3A_60 : memref<10112x64xf32, #tpu.memory_space<vmem_shared>>) offsets(%dma_start3A_57 : memref<80xi32, #tpu.memory_space<vmem>>) semaphore(%run_scoped3A : memref<!tpu.dma_semaphore, #tpu.memory_space<semaphore_mem>>) {add = true}
        %dma_wait3A_61 = arith.constant 0 : i32
        %dma_wait3A_62 = tpu.memref_slice %arg7[%add3A_30, %dma_wait3A_61] : memref<125x80xi32, #tpu.memory_space<vmem>> -> memref<1x80xi32, #tpu.memory_space<vmem>>
        %dma_wait3A_63 = tpu.memref_squeeze %dma_wait3A_62 : memref<1x80xi32, #tpu.memory_space<vmem>> -> memref<80xi32, #tpu.memory_space<vmem>>
        %dma_wait3A_64 = arith.constant 0 : i32
        %dma_wait3A_65 = arith.constant 0 : i32
        %dma_wait3A_66 = tpu.memref_slice %arg11[%dma_wait3A_64, %dma_wait3A_65] : memref<10112x64xf32, #tpu.memory_space<vmem_shared>> -> memref<10112x64xf32, #tpu.memory_space<vmem_shared>>
        tpu.wait_indirect_dma semaphore(%run_scoped3A : memref<!tpu.dma_semaphore, #tpu.memory_space<semaphore_mem>>) src(%arg8 : memref<80x64xf32, #tpu.memory_space<vmem>>) dst(%dma_wait3A_66 : memref<10112x64xf32, #tpu.memory_space<vmem_shared>>)
        tpu.yield
      }) : () -> ()
      %add3A_41 = arith.constant 2 : i32
      %add3A_42 = arith.addi %add3A_30, %add3A_41 : i32
      %lt3A_43 = arith.constant 125 : i32
      %lt3A_44 = arith.cmpi slt, %add3A_42, %lt3A_43 : i32
      %convert_element_type3A_45 = arith.extui %lt3A_44 : i1 to i32
      %cond3A_46 = arith.constant 0 : i32
      %cond3A_47 = arith.cmpi ne, %convert_element_type3A_45, %cond3A_46 : i32
      scf.if %cond3A_47 {
        %add3A_55 = arith.constant 2 : i32
        %add3A_56 = arith.addi %add3A_30, %add3A_55 : i32
        %dma_start3A_57 = arith.constant 0 : i32
        %dma_start3A_58 = tpu.memref_slice %arg6[%add3A_56, %dma_start3A_57] : memref<125x80xi32, #tpu.memory_space<vmem>> -> memref<1x80xi32, #tpu.memory_space<vmem>>
        %dma_start3A_59 = tpu.memref_squeeze %dma_start3A_58 : memref<1x80xi32, #tpu.memory_space<vmem>> -> memref<80xi32, #tpu.memory_space<vmem>>
        %dma_start3A_60 = arith.constant 0 : i32
        %dma_start3A_61 = arith.constant 0 : i32
        %dma_start3A_62 = tpu.memref_slice %arg2[%dma_start3A_60, %dma_start3A_61] : memref<10000x64xf32, #tpu.memory_space<hbm>> -> memref<10000x64xf32, #tpu.memory_space<hbm>>
        tpu.enqueue_indirect_dma source(%dma_start3A_62 : memref<10000x64xf32, #tpu.memory_space<hbm>>) target(%arg8 : memref<80x64xf32, #tpu.memory_space<vmem>>) offsets(%dma_start3A_59 : memref<80xi32, #tpu.memory_space<vmem>>) semaphore(%arg12 : memref<!tpu.dma_semaphore, #tpu.memory_space<semaphore_mem>>)
      } else {
      }
      %add3A_48 = arith.constant 1 : i32
      %add3A_49 = arith.addi %add3A_30, %add3A_48 : i32
      %lt3A_50 = arith.constant 125 : i32
      %lt3A_51 = arith.cmpi slt, %add3A_49, %lt3A_50 : i32
      %convert_element_type3A_52 = arith.extui %lt3A_51 : i1 to i32
      %cond3A_53 = arith.constant 0 : i32
      %cond3A_54 = arith.cmpi ne, %convert_element_type3A_52, %cond3A_53 : i32
      scf.if %cond3A_54 {
        %dma_wait3A_55 = arith.constant 0 : i32
        %dma_wait3A_56 = arith.constant 0 : i32
        %dma_wait3A_57 = tpu.memref_slice %arg6[%dma_wait3A_55, %dma_wait3A_56] : memref<125x80xi32, #tpu.memory_space<vmem>> -> memref<1x80xi32, #tpu.memory_space<vmem>>
        %dma_wait3A_58 = tpu.memref_squeeze %dma_wait3A_57 : memref<1x80xi32, #tpu.memory_space<vmem>> -> memref<80xi32, #tpu.memory_space<vmem>>
        %dma_wait3A_59 = arith.constant 0 : i32
        %dma_wait3A_60 = arith.constant 0 : i32
        %dma_wait3A_61 = tpu.memref_slice %arg2[%dma_wait3A_59, %dma_wait3A_60] : memref<10000x64xf32, #tpu.memory_space<hbm>> -> memref<10000x64xf32, #tpu.memory_space<hbm>>
        tpu.wait_indirect_dma semaphore(%arg13 : memref<!tpu.dma_semaphore, #tpu.memory_space<semaphore_mem>>) src(%dma_wait3A_61 : memref<10000x64xf32, #tpu.memory_space<hbm>>) dst(%arg9 : memref<80x64xf32, #tpu.memory_space<vmem>>)
        %add3A_62 = arith.constant 1 : i32
        %add3A_63 = arith.addi %add3A_30, %add3A_62 : i32
        "tpu.region"() ({
          %run_scoped3A = tpu.sem_alloc : memref<!tpu.dma_semaphore, #tpu.memory_space<semaphore_mem>>
          %dma_start3A_64 = arith.constant 0 : i32
          %dma_start3A_65 = tpu.memref_slice %arg7[%add3A_63, %dma_start3A_64] : memref<125x80xi32, #tpu.memory_space<vmem>> -> memref<1x80xi32, #tpu.memory_space<vmem>>
          %dma_start3A_66 = tpu.memref_squeeze %dma_start3A_65 : memref<1x80xi32, #tpu.memory_space<vmem>> -> memref<80xi32, #tpu.memory_space<vmem>>
          %dma_start3A_67 = arith.constant 0 : i32
          %dma_start3A_68 = arith.constant 0 : i32
          %dma_start3A_69 = tpu.memref_slice %arg11[%dma_start3A_67, %dma_start3A_68] : memref<10112x64xf32, #tpu.memory_space<vmem_shared>> -> memref<10112x64xf32, #tpu.memory_space<vmem_shared>>
          tpu.enqueue_indirect_dma source(%arg9 : memref<80x64xf32, #tpu.memory_space<vmem>>) target(%dma_start3A_69 : memref<10112x64xf32, #tpu.memory_space<vmem_shared>>) offsets(%dma_start3A_66 : memref<80xi32, #tpu.memory_space<vmem>>) semaphore(%run_scoped3A : memref<!tpu.dma_semaphore, #tpu.memory_space<semaphore_mem>>) {add = true}
          %dma_wait3A_70 = arith.constant 0 : i32
          %dma_wait3A_71 = tpu.memref_slice %arg7[%add3A_63, %dma_wait3A_70] : memref<125x80xi32, #tpu.memory_space<vmem>> -> memref<1x80xi32, #tpu.memory_space<vmem>>
          %dma_wait3A_72 = tpu.memref_squeeze %dma_wait3A_71 : memref<1x80xi32, #tpu.memory_space<vmem>> -> memref<80xi32, #tpu.memory_space<vmem>>
          %dma_wait3A_73 = arith.constant 0 : i32
          %dma_wait3A_74 = arith.constant 0 : i32
          %dma_wait3A_75 = tpu.memref_slice %arg11[%dma_wait3A_73, %dma_wait3A_74] : memref<10112x64xf32, #tpu.memory_space<vmem_shared>> -> memref<10112x64xf32, #tpu.memory_space<vmem_shared>>
          tpu.wait_indirect_dma semaphore(%run_scoped3A : memref<!tpu.dma_semaphore, #tpu.memory_space<semaphore_mem>>) src(%arg9 : memref<80x64xf32, #tpu.memory_space<vmem>>) dst(%dma_wait3A_75 : memref<10112x64xf32, #tpu.memory_space<vmem_shared>>)
          tpu.yield
        }) : () -> ()
      } else {
      }
    }
    %scan3A_20 = arith.constant 63 : i32
    %barrier3A_21 = arith.constant 0 : index
    tpu.barrier barrier_id(%barrier3A_21)
    %mul3A_22 = arith.constant 632 : i32
    %mul3A_23 = arith.muli %arg1, %mul3A_22 : i32
    %mul3A_24 = arith.constant 632 : i32
    %mul3A_25 = arith.muli %arg1, %mul3A_24 : i32
    "tpu.region"() ({
      %run_scoped3A = tpu.sem_alloc : memref<!tpu.dma_semaphore, #tpu.memory_space<semaphore_mem>>
      %dma_start3A_26 = arith.constant 0 : i32
      %dma_start3A_27 = arith.constant 0 : i32
      %dma_start3A_28 = tpu.memref_slice %arg5[%arg0, %dma_start3A_26, %dma_start3A_27] : memref<2x10112x64xf32, #tpu.memory_space<hbm>> -> memref<1x10112x64xf32, #tpu.memory_space<hbm>>
      %dma_start3A_29 = tpu.memref_squeeze %dma_start3A_28 : memref<1x10112x64xf32, #tpu.memory_space<hbm>> -> memref<10112x64xf32, #tpu.memory_space<hbm>>
      %dma_start3A_30 = arith.constant 0 : i32
      %dma_start3A_31 = tpu.memref_slice %dma_start3A_29[%mul3A_25, %dma_start3A_30] : memref<10112x64xf32, #tpu.memory_space<hbm>> -> memref<632x64xf32, #tpu.memory_space<hbm>>
      %dma_start3A_32 = arith.constant 0 : i32
      %dma_start3A_33 = tpu.memref_slice %arg11[%mul3A_23, %dma_start3A_32] : memref<10112x64xf32, #tpu.memory_space<vmem_shared>> -> memref<632x64xf32, #tpu.memory_space<vmem_shared>>
      tpu.enqueue_dma source(%dma_start3A_33 : memref<632x64xf32, #tpu.memory_space<vmem_shared>>) target(%dma_start3A_31 : memref<632x64xf32, #tpu.memory_space<hbm>>) target_semaphore(%run_scoped3A : memref<!tpu.dma_semaphore, #tpu.memory_space<semaphore_mem>>)
      %dma_wait3A = arith.constant 0 : i32
      %dma_wait3A_34 = arith.constant 0 : i32
      %dma_wait3A_35 = tpu.memref_slice %arg5[%arg0, %dma_wait3A, %dma_wait3A_34] : memref<2x10112x64xf32, #tpu.memory_space<hbm>> -> memref<1x10112x64xf32, #tpu.memory_space<hbm>>
      %dma_wait3A_36 = tpu.memref_squeeze %dma_wait3A_35 : memref<1x10112x64xf32, #tpu.memory_space<hbm>> -> memref<10112x64xf32, #tpu.memory_space<hbm>>
      %dma_wait3A_37 = arith.constant 0 : i32
      %dma_wait3A_38 = tpu.memref_slice %dma_wait3A_36[%mul3A_25, %dma_wait3A_37] : memref<10112x64xf32, #tpu.memory_space<hbm>> -> memref<632x64xf32, #tpu.memory_space<hbm>>
      %dma_wait3A_39 = arith.constant 0 : i32
      %dma_wait3A_40 = tpu.memref_slice %arg11[%mul3A_23, %dma_wait3A_39] : memref<10112x64xf32, #tpu.memory_space<vmem_shared>> -> memref<632x64xf32, #tpu.memory_space<vmem_shared>>
      tpu.wait_dma2 semaphore(%run_scoped3A : memref<!tpu.dma_semaphore, #tpu.memory_space<semaphore_mem>>) src(%dma_wait3A_40 : memref<632x64xf32, #tpu.memory_space<vmem_shared>>) dst(%dma_wait3A_38 : memref<632x64xf32, #tpu.memory_space<hbm>>)
      tpu.yield
    }) : () -> ()
    return
  }
}

#map = affine_map<(d0, d1) -> (0, 0)>
#map1 = affine_map<(d0, d1) -> (0, 0, 0)>
module attributes {stable_mosaic.version = 14 : i64} {
  func.func @seg(%arg0: i32, %arg1: i32, %arg2: memref<10000x64xf32, #tpu.memory_space<hbm>>, %arg3: memref<32x125x80xi32, #tpu.memory_space<hbm>>, %arg4: memref<32x125x80xi32, #tpu.memory_space<hbm>>, %arg5: memref<2x10112x64xf32, #tpu.memory_space<hbm>>, %arg6: memref<125x80xi32, #tpu.memory_space<vmem>>, %arg7: memref<125x80xi32, #tpu.memory_space<vmem>>, %arg8: memref<80x64xf32, #tpu.memory_space<vmem>>, %arg9: memref<80x64xf32, #tpu.memory_space<vmem>>, %arg10: memref<79x64xf32, #tpu.memory_space<vmem>>, %arg11: memref<10112x64xf32, #tpu.memory_space<vmem_shared>>, %arg12: memref<!tpu.dma_semaphore, #tpu.memory_space<semaphore_mem>>, %arg13: memref<!tpu.dma_semaphore, #tpu.memory_space<semaphore_mem>>) attributes {dimension_semantics = [#tpu.dimension_semantics<core_parallel>, #tpu.dimension_semantics<subcore_parallel>], iteration_bounds = array<i64: 2, 16>, scalar_prefetch = 0 : i64, scratch_operands = 8 : i64, tpu.core_type = #tpu.core_type<sc_vector_subcore>, window_params = [{transform_indices = #map}, {transform_indices = #map1}, {transform_indices = #map1}, {transform_indices = #map1}]} {
    %mul3A = arith.constant 16 : i32
    %mul3A_0 = arith.muli %arg0, %mul3A : i32
    %add3A = arith.addi %mul3A_0, %arg1 : i32
    "tpu.region"() ({
      %run_scoped3A = tpu.sem_alloc : memref<!tpu.dma_semaphore, #tpu.memory_space<semaphore_mem>>
      %dma_start3A_26 = arith.constant 0 : i32
      %dma_start3A_27 = arith.constant 0 : i32
      %dma_start3A_28 = tpu.memref_slice %arg3[%add3A, %dma_start3A_26, %dma_start3A_27] : memref<32x125x80xi32, #tpu.memory_space<hbm>> -> memref<1x125x80xi32, #tpu.memory_space<hbm>>
      %dma_start3A_29 = tpu.memref_squeeze %dma_start3A_28 : memref<1x125x80xi32, #tpu.memory_space<hbm>> -> memref<125x80xi32, #tpu.memory_space<hbm>>
      %dma_start3A_30 = arith.constant 0 : i32
      %dma_start3A_31 = arith.constant 0 : i32
      %dma_start3A_32 = tpu.memref_slice %arg3[%add3A, %dma_start3A_30, %dma_start3A_31] : memref<32x125x80xi32, #tpu.memory_space<hbm>> -> memref<1x125x80xi32, #tpu.memory_space<hbm>>
      %dma_start3A_33 = tpu.memref_squeeze %dma_start3A_32 : memref<1x125x80xi32, #tpu.memory_space<hbm>> -> memref<125x80xi32, #tpu.memory_space<hbm>>
      tpu.enqueue_dma source(%dma_start3A_33 : memref<125x80xi32, #tpu.memory_space<hbm>>) target(%arg6 : memref<125x80xi32, #tpu.memory_space<vmem>>) target_semaphore(%run_scoped3A : memref<!tpu.dma_semaphore, #tpu.memory_space<semaphore_mem>>)
      %dma_wait3A = arith.constant 0 : i32
      %dma_wait3A_34 = arith.constant 0 : i32
      %dma_wait3A_35 = tpu.memref_slice %arg3[%add3A, %dma_wait3A, %dma_wait3A_34] : memref<32x125x80xi32, #tpu.memory_space<hbm>> -> memref<1x125x80xi32, #tpu.memory_space<hbm>>
      %dma_wait3A_36 = tpu.memref_squeeze %dma_wait3A_35 : memref<1x125x80xi32, #tpu.memory_space<hbm>> -> memref<125x80xi32, #tpu.memory_space<hbm>>
      %dma_wait3A_37 = arith.constant 0 : i32
      %dma_wait3A_38 = arith.constant 0 : i32
      %dma_wait3A_39 = tpu.memref_slice %arg3[%add3A, %dma_wait3A_37, %dma_wait3A_38] : memref<32x125x80xi32, #tpu.memory_space<hbm>> -> memref<1x125x80xi32, #tpu.memory_space<hbm>>
      %dma_wait3A_40 = tpu.memref_squeeze %dma_wait3A_39 : memref<1x125x80xi32, #tpu.memory_space<hbm>> -> memref<125x80xi32, #tpu.memory_space<hbm>>
      tpu.wait_dma2 semaphore(%run_scoped3A : memref<!tpu.dma_semaphore, #tpu.memory_space<semaphore_mem>>) src(%dma_wait3A_40 : memref<125x80xi32, #tpu.memory_space<hbm>>) dst(%arg6 : memref<125x80xi32, #tpu.memory_space<vmem>>)
      tpu.yield
    }) : () -> ()
    "tpu.region"() ({
      %run_scoped3A = tpu.sem_alloc : memref<!tpu.dma_semaphore, #tpu.memory_space<semaphore_mem>>
      %dma_start3A_26 = arith.constant 0 : i32
      %dma_start3A_27 = arith.constant 0 : i32
      %dma_start3A_28 = tpu.memref_slice %arg4[%add3A, %dma_start3A_26, %dma_start3A_27] : memref<32x125x80xi32, #tpu.memory_space<hbm>> -> memref<1x125x80xi32, #tpu.memory_space<hbm>>
      %dma_start3A_29 = tpu.memref_squeeze %dma_start3A_28 : memref<1x125x80xi32, #tpu.memory_space<hbm>> -> memref<125x80xi32, #tpu.memory_space<hbm>>
      %dma_start3A_30 = arith.constant 0 : i32
      %dma_start3A_31 = arith.constant 0 : i32
      %dma_start3A_32 = tpu.memref_slice %arg4[%add3A, %dma_start3A_30, %dma_start3A_31] : memref<32x125x80xi32, #tpu.memory_space<hbm>> -> memref<1x125x80xi32, #tpu.memory_space<hbm>>
      %dma_start3A_33 = tpu.memref_squeeze %dma_start3A_32 : memref<1x125x80xi32, #tpu.memory_space<hbm>> -> memref<125x80xi32, #tpu.memory_space<hbm>>
      tpu.enqueue_dma source(%dma_start3A_33 : memref<125x80xi32, #tpu.memory_space<hbm>>) target(%arg7 : memref<125x80xi32, #tpu.memory_space<vmem>>) target_semaphore(%run_scoped3A : memref<!tpu.dma_semaphore, #tpu.memory_space<semaphore_mem>>)
      %dma_wait3A = arith.constant 0 : i32
      %dma_wait3A_34 = arith.constant 0 : i32
      %dma_wait3A_35 = tpu.memref_slice %arg4[%add3A, %dma_wait3A, %dma_wait3A_34] : memref<32x125x80xi32, #tpu.memory_space<hbm>> -> memref<1x125x80xi32, #tpu.memory_space<hbm>>
      %dma_wait3A_36 = tpu.memref_squeeze %dma_wait3A_35 : memref<1x125x80xi32, #tpu.memory_space<hbm>> -> memref<125x80xi32, #tpu.memory_space<hbm>>
      %dma_wait3A_37 = arith.constant 0 : i32
      %dma_wait3A_38 = arith.constant 0 : i32
      %dma_wait3A_39 = tpu.memref_slice %arg4[%add3A, %dma_wait3A_37, %dma_wait3A_38] : memref<32x125x80xi32, #tpu.memory_space<hbm>> -> memref<1x125x80xi32, #tpu.memory_space<hbm>>
      %dma_wait3A_40 = tpu.memref_squeeze %dma_wait3A_39 : memref<1x125x80xi32, #tpu.memory_space<hbm>> -> memref<125x80xi32, #tpu.memory_space<hbm>>
      tpu.wait_dma2 semaphore(%run_scoped3A : memref<!tpu.dma_semaphore, #tpu.memory_space<semaphore_mem>>) src(%dma_wait3A_40 : memref<125x80xi32, #tpu.memory_space<hbm>>) dst(%arg7 : memref<125x80xi32, #tpu.memory_space<vmem>>)
      tpu.yield
    }) : () -> ()
    %scan3A = arith.constant 0 : i32
    %scan3A_1 = arith.constant 79 : i32
    %scan3A_2 = arith.addi %scan3A, %scan3A_1 : i32
    %scan3A_3 = arith.constant 1 : i32
    scf.for %scan3A_26 = %scan3A to %scan3A_2 step %scan3A_3  : i32 {
      %mul3A_27 = arith.constant 1 : i32
      %mul3A_28 = arith.muli %scan3A_26, %mul3A_27 : i32
      %add3A_29 = arith.constant 0 : i32
      %add3A_30 = arith.addi %add3A_29, %mul3A_28 : i32
      %scan3A_31 = arith.constant 0 : i32
      %scan3A_32 = arith.constant 4 : i32
      %scan3A_33 = arith.addi %scan3A_31, %scan3A_32 : i32
      %scan3A_34 = arith.constant 1 : i32
      scf.for %scan3A_36 = %scan3A_31 to %scan3A_33 step %scan3A_34  : i32 {
        %mul3A_37 = arith.constant 16 : i32
        %mul3A_38 = arith.muli %scan3A_36, %mul3A_37 : i32
        %add3A_39 = arith.constant 0 : i32
        %add3A_40 = arith.addi %add3A_39, %mul3A_38 : i32
        %broadcast_in_dim3A = arith.constant 0.000000e+00 : f32
        %broadcast_in_dim3A_41 = vector.broadcast %broadcast_in_dim3A : f32 to vector<16xf32>
        %swap3A = arith.index_cast %add3A_30 : i32 to index
        %swap3A_42 = arith.index_cast %add3A_40 : i32 to index
        %swap3A_43 = tpu.vector_load %arg10[%swap3A, %swap3A_42] {strides = array<i32>} : memref<79x64xf32, #tpu.memory_space<vmem>>, vector<1x16xf32>,
        %swap3A_44 = vector.shape_cast %swap3A_43 : vector<1x16xf32> to vector<16xf32>
        %swap3A_45 = vector.shape_cast %broadcast_in_dim3A_41 : vector<16xf32> to vector<1x16xf32>
        tpu.vector_store %arg10[%swap3A, %swap3A_42], %swap3A_45 {strides = array<i32>} : memref<79x64xf32, #tpu.memory_space<vmem>>, vector<1x16xf32>,
      }
      %scan3A_35 = arith.constant 4 : i32
    }
    %scan3A_4 = arith.constant 79 : i32
    %scan3A_5 = arith.constant 0 : i32
    %scan3A_6 = arith.constant 8 : i32
    %scan3A_7 = arith.addi %scan3A_5, %scan3A_6 : i32
    %scan3A_8 = arith.constant 1 : i32
    scf.for %scan3A_26 = %scan3A_5 to %scan3A_7 step %scan3A_8  : i32 {
      %mul3A_27 = arith.constant 1 : i32
      %mul3A_28 = arith.muli %scan3A_26, %mul3A_27 : i32
      %add3A_29 = arith.constant 0 : i32
      %add3A_30 = arith.addi %add3A_29, %mul3A_28 : i32
      %mul3A_31 = arith.constant 632 : i32
      %mul3A_32 = arith.muli %arg1, %mul3A_31 : i32
      %mul3A_33 = arith.constant 79 : i32
      %mul3A_34 = arith.muli %add3A_30, %mul3A_33 : i32
      %add3A_35 = arith.addi %mul3A_32, %mul3A_34 : i32
      "tpu.region"() ({
        %run_scoped3A = tpu.sem_alloc : memref<!tpu.dma_semaphore, #tpu.memory_space<semaphore_mem>>
        %dma_start3A_36 = arith.constant 0 : i32
        %dma_start3A_37 = tpu.memref_slice %arg11[%add3A_35, %dma_start3A_36] : memref<10112x64xf32, #tpu.memory_space<vmem_shared>> -> memref<79x64xf32, #tpu.memory_space<vmem_shared>>
        %dma_start3A_38 = arith.constant 0 : i32
        %dma_start3A_39 = tpu.memref_slice %arg11[%add3A_35, %dma_start3A_38] : memref<10112x64xf32, #tpu.memory_space<vmem_shared>> -> memref<79x64xf32, #tpu.memory_space<vmem_shared>>
        tpu.enqueue_dma source(%arg10 : memref<79x64xf32, #tpu.memory_space<vmem>>) target(%dma_start3A_39 : memref<79x64xf32, #tpu.memory_space<vmem_shared>>) target_semaphore(%run_scoped3A : memref<!tpu.dma_semaphore, #tpu.memory_space<semaphore_mem>>)
        %dma_wait3A = arith.constant 0 : i32
        %dma_wait3A_40 = tpu.memref_slice %arg11[%add3A_35, %dma_wait3A] : memref<10112x64xf32, #tpu.memory_space<vmem_shared>> -> memref<79x64xf32, #tpu.memory_space<vmem_shared>>
        %dma_wait3A_41 = arith.constant 0 : i32
        %dma_wait3A_42 = tpu.memref_slice %arg11[%add3A_35, %dma_wait3A_41] : memref<10112x64xf32, #tpu.memory_space<vmem_shared>> -> memref<79x64xf32, #tpu.memory_space<vmem_shared>>
        tpu.wait_dma2 semaphore(%run_scoped3A : memref<!tpu.dma_semaphore, #tpu.memory_space<semaphore_mem>>) src(%arg10 : memref<79x64xf32, #tpu.memory_space<vmem>>) dst(%dma_wait3A_42 : memref<79x64xf32, #tpu.memory_space<vmem_shared>>)
        tpu.yield
      }) : () -> ()
    }
    %scan3A_9 = arith.constant 8 : i32
    %barrier3A = arith.constant 0 : index
    tpu.barrier barrier_id(%barrier3A)
    %dma_start3A = arith.constant 0 : i32
    %dma_start3A_10 = arith.constant 0 : i32
    %dma_start3A_11 = tpu.memref_slice %arg6[%dma_start3A, %dma_start3A_10] : memref<125x80xi32, #tpu.memory_space<vmem>> -> memref<1x80xi32, #tpu.memory_space<vmem>>
    %dma_start3A_12 = tpu.memref_squeeze %dma_start3A_11 : memref<1x80xi32, #tpu.memory_space<vmem>> -> memref<80xi32, #tpu.memory_space<vmem>>
    %dma_start3A_13 = arith.constant 0 : i32
    %dma_start3A_14 = arith.constant 0 : i32
    %dma_start3A_15 = tpu.memref_slice %arg2[%dma_start3A_13, %dma_start3A_14] : memref<10000x64xf32, #tpu.memory_space<hbm>> -> memref<10000x64xf32, #tpu.memory_space<hbm>>
    tpu.enqueue_indirect_dma source(%dma_start3A_15 : memref<10000x64xf32, #tpu.memory_space<hbm>>) target(%arg8 : memref<80x64xf32, #tpu.memory_space<vmem>>) offsets(%dma_start3A_12 : memref<80xi32, #tpu.memory_space<vmem>>) semaphore(%arg12 : memref<!tpu.dma_semaphore, #tpu.memory_space<semaphore_mem>>)
    %scan3A_16 = arith.constant 0 : i32
    %scan3A_17 = arith.constant 63 : i32
    %scan3A_18 = arith.addi %scan3A_16, %scan3A_17 : i32
    %scan3A_19 = arith.constant 1 : i32
    scf.for %scan3A_26 = %scan3A_16 to %scan3A_18 step %scan3A_19  : i32 {
      %mul3A_27 = arith.constant 2 : i32
      %mul3A_28 = arith.muli %scan3A_26, %mul3A_27 : i32
      %add3A_29 = arith.constant 0 : i32
      %add3A_30 = arith.addi %add3A_29, %mul3A_28 : i32
      %add3A_31 = arith.constant 1 : i32
      %add3A_32 = arith.addi %add3A_30, %add3A_31 : i32
      %lt3A = arith.constant 125 : i32
      %lt3A_33 = arith.cmpi slt, %add3A_32, %lt3A : i32
      %convert_element_type3A = arith.extui %lt3A_33 : i1 to i32
      %cond3A = arith.constant 0 : i32
      %cond3A_34 = arith.cmpi ne, %convert_element_type3A, %cond3A : i32
      scf.if %cond3A_34 {
        %add3A_55 = arith.constant 1 : i32
        %add3A_56 = arith.addi %add3A_30, %add3A_55 : i32
        %dma_start3A_57 = arith.constant 0 : i32
        %dma_start3A_58 = tpu.memref_slice %arg6[%add3A_56, %dma_start3A_57] : memref<125x80xi32, #tpu.memory_space<vmem>> -> memref<1x80xi32, #tpu.memory_space<vmem>>
        %dma_start3A_59 = tpu.memref_squeeze %dma_start3A_58 : memref<1x80xi32, #tpu.memory_space<vmem>> -> memref<80xi32, #tpu.memory_space<vmem>>
        %dma_start3A_60 = arith.constant 0 : i32
        %dma_start3A_61 = arith.constant 0 : i32
        %dma_start3A_62 = tpu.memref_slice %arg2[%dma_start3A_60, %dma_start3A_61] : memref<10000x64xf32, #tpu.memory_space<hbm>> -> memref<10000x64xf32, #tpu.memory_space<hbm>>
        tpu.enqueue_indirect_dma source(%dma_start3A_62 : memref<10000x64xf32, #tpu.memory_space<hbm>>) target(%arg9 : memref<80x64xf32, #tpu.memory_space<vmem>>) offsets(%dma_start3A_59 : memref<80xi32, #tpu.memory_space<vmem>>) semaphore(%arg13 : memref<!tpu.dma_semaphore, #tpu.memory_space<semaphore_mem>>)
      } else {
      }
      %dma_wait3A = arith.constant 0 : i32
      %dma_wait3A_35 = arith.constant 0 : i32
      %dma_wait3A_36 = tpu.memref_slice %arg6[%dma_wait3A, %dma_wait3A_35] : memref<125x80xi32, #tpu.memory_space<vmem>> -> memref<1x80xi32, #tpu.memory_space<vmem>>
      %dma_wait3A_37 = tpu.memref_squeeze %dma_wait3A_36 : memref<1x80xi32, #tpu.memory_space<vmem>> -> memref<80xi32, #tpu.memory_space<vmem>>
      %dma_wait3A_38 = arith.constant 0 : i32
      %dma_wait3A_39 = arith.constant 0 : i32
      %dma_wait3A_40 = tpu.memref_slice %arg2[%dma_wait3A_38, %dma_wait3A_39] : memref<10000x64xf32, #tpu.memory_space<hbm>> -> memref<10000x64xf32, #tpu.memory_space<hbm>>
      tpu.wait_indirect_dma semaphore(%arg12 : memref<!tpu.dma_semaphore, #tpu.memory_space<semaphore_mem>>) src(%dma_wait3A_40 : memref<10000x64xf32, #tpu.memory_space<hbm>>) dst(%arg8 : memref<80x64xf32, #tpu.memory_space<vmem>>)
      "tpu.region"() ({
        %run_scoped3A = tpu.sem_alloc : memref<!tpu.dma_semaphore, #tpu.memory_space<semaphore_mem>>
        %dma_start3A_55 = arith.constant 0 : i32
        %dma_start3A_56 = tpu.memref_slice %arg7[%add3A_30, %dma_start3A_55] : memref<125x80xi32, #tpu.memory_space<vmem>> -> memref<1x80xi32, #tpu.memory_space<vmem>>
        %dma_start3A_57 = tpu.memref_squeeze %dma_start3A_56 : memref<1x80xi32, #tpu.memory_space<vmem>> -> memref<80xi32, #tpu.memory_space<vmem>>
        %dma_start3A_58 = arith.constant 0 : i32
        %dma_start3A_59 = arith.constant 0 : i32
        %dma_start3A_60 = tpu.memref_slice %arg11[%dma_start3A_58, %dma_start3A_59] : memref<10112x64xf32, #tpu.memory_space<vmem_shared>> -> memref<10112x64xf32, #tpu.memory_space<vmem_shared>>
        tpu.enqueue_indirect_dma source(%arg8 : memref<80x64xf32, #tpu.memory_space<vmem>>) target(%dma_start3A_60 : memref<10112x64xf32, #tpu.memory_space<vmem_shared>>) offsets(%dma_start3A_57 : memref<80xi32, #tpu.memory_space<vmem>>) semaphore(%run_scoped3A : memref<!tpu.dma_semaphore, #tpu.memory_space<semaphore_mem>>) {add = true}
        %dma_wait3A_61 = arith.constant 0 : i32
        %dma_wait3A_62 = tpu.memref_slice %arg7[%add3A_30, %dma_wait3A_61] : memref<125x80xi32, #tpu.memory_space<vmem>> -> memref<1x80xi32, #tpu.memory_space<vmem>>
        %dma_wait3A_63 = tpu.memref_squeeze %dma_wait3A_62 : memref<1x80xi32, #tpu.memory_space<vmem>> -> memref<80xi32, #tpu.memory_space<vmem>>
        %dma_wait3A_64 = arith.constant 0 : i32
        %dma_wait3A_65 = arith.constant 0 : i32
        %dma_wait3A_66 = tpu.memref_slice %arg11[%dma_wait3A_64, %dma_wait3A_65] : memref<10112x64xf32, #tpu.memory_space<vmem_shared>> -> memref<10112x64xf32, #tpu.memory_space<vmem_shared>>
        tpu.wait_indirect_dma semaphore(%run_scoped3A : memref<!tpu.dma_semaphore, #tpu.memory_space<semaphore_mem>>) src(%arg8 : memref<80x64xf32, #tpu.memory_space<vmem>>) dst(%dma_wait3A_66 : memref<10112x64xf32, #tpu.memory_space<vmem_shared>>)
        tpu.yield
      }) : () -> ()
      %add3A_41 = arith.constant 2 : i32
      %add3A_42 = arith.addi %add3A_30, %add3A_41 : i32
      %lt3A_43 = arith.constant 125 : i32
      %lt3A_44 = arith.cmpi slt, %add3A_42, %lt3A_43 : i32
      %convert_element_type3A_45 = arith.extui %lt3A_44 : i1 to i32
      %cond3A_46 = arith.constant 0 : i32
      %cond3A_47 = arith.cmpi ne, %convert_element_type3A_45, %cond3A_46 : i32
      scf.if %cond3A_47 {
        %add3A_55 = arith.constant 2 : i32
        %add3A_56 = arith.addi %add3A_30, %add3A_55 : i32
        %dma_start3A_57 = arith.constant 0 : i32
        %dma_start3A_58 = tpu.memref_slice %arg6[%add3A_56, %dma_start3A_57] : memref<125x80xi32, #tpu.memory_space<vmem>> -> memref<1x80xi32, #tpu.memory_space<vmem>>
        %dma_start3A_59 = tpu.memref_squeeze %dma_start3A_58 : memref<1x80xi32, #tpu.memory_space<vmem>> -> memref<80xi32, #tpu.memory_space<vmem>>
        %dma_start3A_60 = arith.constant 0 : i32
        %dma_start3A_61 = arith.constant 0 : i32
        %dma_start3A_62 = tpu.memref_slice %arg2[%dma_start3A_60, %dma_start3A_61] : memref<10000x64xf32, #tpu.memory_space<hbm>> -> memref<10000x64xf32, #tpu.memory_space<hbm>>
        tpu.enqueue_indirect_dma source(%dma_start3A_62 : memref<10000x64xf32, #tpu.memory_space<hbm>>) target(%arg8 : memref<80x64xf32, #tpu.memory_space<vmem>>) offsets(%dma_start3A_59 : memref<80xi32, #tpu.memory_space<vmem>>) semaphore(%arg12 : memref<!tpu.dma_semaphore, #tpu.memory_space<semaphore_mem>>)
      } else {
      }
      %add3A_48 = arith.constant 1 : i32
      %add3A_49 = arith.addi %add3A_30, %add3A_48 : i32
      %lt3A_50 = arith.constant 125 : i32
      %lt3A_51 = arith.cmpi slt, %add3A_49, %lt3A_50 : i32
      %convert_element_type3A_52 = arith.extui %lt3A_51 : i1 to i32
      %cond3A_53 = arith.constant 0 : i32
      %cond3A_54 = arith.cmpi ne, %convert_element_type3A_52, %cond3A_53 : i32
      scf.if %cond3A_54 {
        %dma_wait3A_55 = arith.constant 0 : i32
        %dma_wait3A_56 = arith.constant 0 : i32
        %dma_wait3A_57 = tpu.memref_slice %arg6[%dma_wait3A_55, %dma_wait3A_56] : memref<125x80xi32, #tpu.memory_space<vmem>> -> memref<1x80xi32, #tpu.memory_space<vmem>>
        %dma_wait3A_58 = tpu.memref_squeeze %dma_wait3A_57 : memref<1x80xi32, #tpu.memory_space<vmem>> -> memref<80xi32, #tpu.memory_space<vmem>>
        %dma_wait3A_59 = arith.constant 0 : i32
        %dma_wait3A_60 = arith.constant 0 : i32
        %dma_wait3A_61 = tpu.memref_slice %arg2[%dma_wait3A_59, %dma_wait3A_60] : memref<10000x64xf32, #tpu.memory_space<hbm>> -> memref<10000x64xf32, #tpu.memory_space<hbm>>
        tpu.wait_indirect_dma semaphore(%arg13 : memref<!tpu.dma_semaphore, #tpu.memory_space<semaphore_mem>>) src(%dma_wait3A_61 : memref<10000x64xf32, #tpu.memory_space<hbm>>) dst(%arg9 : memref<80x64xf32, #tpu.memory_space<vmem>>)
        %add3A_62 = arith.constant 1 : i32
        %add3A_63 = arith.addi %add3A_30, %add3A_62 : i32
        "tpu.region"() ({
          %run_scoped3A = tpu.sem_alloc : memref<!tpu.dma_semaphore, #tpu.memory_space<semaphore_mem>>
          %dma_start3A_64 = arith.constant 0 : i32
          %dma_start3A_65 = tpu.memref_slice %arg7[%add3A_63, %dma_start3A_64] : memref<125x80xi32, #tpu.memory_space<vmem>> -> memref<1x80xi32, #tpu.memory_space<vmem>>
          %dma_start3A_66 = tpu.memref_squeeze %dma_start3A_65 : memref<1x80xi32, #tpu.memory_space<vmem>> -> memref<80xi32, #tpu.memory_space<vmem>>
          %dma_start3A_67 = arith.constant 0 : i32
          %dma_start3A_68 = arith.constant 0 : i32
          %dma_start3A_69 = tpu.memref_slice %arg11[%dma_start3A_67, %dma_start3A_68] : memref<10112x64xf32, #tpu.memory_space<vmem_shared>> -> memref<10112x64xf32, #tpu.memory_space<vmem_shared>>
          tpu.enqueue_indirect_dma source(%arg9 : memref<80x64xf32, #tpu.memory_space<vmem>>) target(%dma_start3A_69 : memref<10112x64xf32, #tpu.memory_space<vmem_shared>>) offsets(%dma_start3A_66 : memref<80xi32, #tpu.memory_space<vmem>>) semaphore(%run_scoped3A : memref<!tpu.dma_semaphore, #tpu.memory_space<semaphore_mem>>) {add = true}
          %dma_wait3A_70 = arith.constant 0 : i32
          %dma_wait3A_71 = tpu.memref_slice %arg7[%add3A_63, %dma_wait3A_70] : memref<125x80xi32, #tpu.memory_space<vmem>> -> memref<1x80xi32, #tpu.memory_space<vmem>>
          %dma_wait3A_72 = tpu.memref_squeeze %dma_wait3A_71 : memref<1x80xi32, #tpu.memory_space<vmem>> -> memref<80xi32, #tpu.memory_space<vmem>>
          %dma_wait3A_73 = arith.constant 0 : i32
          %dma_wait3A_74 = arith.constant 0 : i32
          %dma_wait3A_75 = tpu.memref_slice %arg11[%dma_wait3A_73, %dma_wait3A_74] : memref<10112x64xf32, #tpu.memory_space<vmem_shared>> -> memref<10112x64xf32, #tpu.memory_space<vmem_shared>>
          tpu.wait_indirect_dma semaphore(%run_scoped3A : memref<!tpu.dma_semaphore, #tpu.memory_space<semaphore_mem>>) src(%arg9 : memref<80x64xf32, #tpu.memory_space<vmem>>) dst(%dma_wait3A_75 : memref<10112x64xf32, #tpu.memory_space<vmem_shared>>)
          tpu.yield
        }) : () -> ()
      } else {
      }
    }
    %scan3A_20 = arith.constant 63 : i32
    %barrier3A_21 = arith.constant 0 : index
    tpu.barrier barrier_id(%barrier3A_21)
    %mul3A_22 = arith.constant 632 : i32
    %mul3A_23 = arith.muli %arg1, %mul3A_22 : i32
    %mul3A_24 = arith.constant 632 : i32
    %mul3A_25 = arith.muli %arg1, %mul3A_24 : i32
    "tpu.region"() ({
      %run_scoped3A = tpu.sem_alloc : memref<!tpu.dma_semaphore, #tpu.memory_space<semaphore_mem>>
      %dma_start3A_26 = arith.constant 0 : i32
      %dma_start3A_27 = arith.constant 0 : i32
      %dma_start3A_28 = tpu.memref_slice %arg5[%arg0, %dma_start3A_26, %dma_start3A_27] : memref<2x10112x64xf32, #tpu.memory_space<hbm>> -> memref<1x10112x64xf32, #tpu.memory_space<hbm>>
      %dma_start3A_29 = tpu.memref_squeeze %dma_start3A_28 : memref<1x10112x64xf32, #tpu.memory_space<hbm>> -> memref<10112x64xf32, #tpu.memory_space<hbm>>
      %dma_start3A_30 = arith.constant 0 : i32
      %dma_start3A_31 = tpu.memref_slice %dma_start3A_29[%mul3A_25, %dma_start3A_30] : memref<10112x64xf32, #tpu.memory_space<hbm>> -> memref<632x64xf32, #tpu.memory_space<hbm>>
      %dma_start3A_32 = arith.constant 0 : i32
      %dma_start3A_33 = tpu.memref_slice %arg11[%mul3A_23, %dma_start3A_32] : memref<10112x64xf32, #tpu.memory_space<vmem_shared>> -> memref<632x64xf32, #tpu.memory_space<vmem_shared>>
      tpu.enqueue_dma source(%dma_start3A_33 : memref<632x64xf32, #tpu.memory_space<vmem_shared>>) target(%dma_start3A_31 : memref<632x64xf32, #tpu.memory_space<hbm>>) target_semaphore(%run_scoped3A : memref<!tpu.dma_semaphore, #tpu.memory_space<semaphore_mem>>)
      %dma_wait3A = arith.constant 0 : i32
      %dma_wait3A_34 = arith.constant 0 : i32
      %dma_wait3A_35 = tpu.memref_slice %arg5[%arg0, %dma_wait3A, %dma_wait3A_34] : memref<2x10112x64xf32, #tpu.memory_space<hbm>> -> memref<1x10112x64xf32, #tpu.memory_space<hbm>>
      %dma_wait3A_36 = tpu.memref_squeeze %dma_wait3A_35 : memref<1x10112x64xf32, #tpu.memory_space<hbm>> -> memref<10112x64xf32, #tpu.memory_space<hbm>>
      %dma_wait3A_37 = arith.constant 0 : i32
      %dma_wait3A_38 = tpu.memref_slice %dma_wait3A_36[%mul3A_25, %dma_wait3A_37] : memref<10112x64xf32, #tpu.memory_space<hbm>> -> memref<632x64xf32, #tpu.memory_space<hbm>>
      %dma_wait3A_39 = arith.constant 0 : i32
      %dma_wait3A_40 = tpu.memref_slice %arg11[%mul3A_23, %dma_wait3A_39] : memref<10112x64xf32, #tpu.memory_space<vmem_shared>> -> memref<632x64xf32, #tpu.memory_space<vmem_shared>>
      tpu.wait_dma2 semaphore(%run_scoped3A : memref<!tpu.dma_semaphore, #tpu.memory_space<semaphore_mem>>) src(%dma_wait3A_40 : memref<632x64xf32, #tpu.memory_space<vmem_shared>>) dst(%dma_wait3A_38 : memref<632x64xf32, #tpu.memory_space<hbm>>)
      tpu.yield
    }) : () -> ()
    return
  }
}

module attributes {stable_mosaic.version = 14 : i64} {
  func.func @body(%arg0: memref<10000x128xf32, #tpu.memory_space<vmem>>, %arg1: memref<128x64xf32, #tpu.memory_space<vmem>>, %arg2: memref<10000x64xf32, #tpu.memory_space<vmem>>) attributes {dimension_semantics = [], scalar_prefetch = 0 : i64, scratch_operands = 0 : i64, tpu.core_type = #tpu.core_type<tc>} {
    %get3A = arith.constant 0 : index
    %get3A_0 = arith.constant 0 : index
    %get3A_1 = vector.load %arg0[%get3A, %get3A_0] : memref<10000x128xf32, #tpu.memory_space<vmem>>, vector<10000x128xf32>
    %get3A_2 = arith.constant 0 : index
    %get3A_3 = arith.constant 0 : index
    %get3A_4 = vector.load %arg1[%get3A_2, %get3A_3] : memref<128x64xf32, #tpu.memory_space<vmem>>, vector<128x64xf32>
    %dot_general3A = arith.constant dense<0.000000e+00> : vector<10000x64xf32>
    %dot_general3A_5 = tpu.matmul %get3A_1, %get3A_4, %dot_general3A {dimension_numbers = #tpu.dot_dimension_numbers<[1], [0], [0], [1], [0, 0, 1, 1], [], []>, transpose_lhs_hint = false} : vector<10000x128xf32>, vector<128x64xf32>, vector<10000x64xf32> -> vector<10000x64xf32>
    %swap3A = arith.constant 0 : index
    %swap3A_6 = arith.constant 0 : index
    %swap3A_7 = vector.load %arg2[%swap3A, %swap3A_6] : memref<10000x64xf32, #tpu.memory_space<vmem>>, vector<10000x64xf32>
    tpu.vector_store %arg2[%swap3A, %swap3A_6], %dot_general3A_5 {strides = array<i32>} : memref<10000x64xf32, #tpu.memory_space<vmem>>, vector<10000x64xf32>,
    return
  }
}

module attributes {stable_mosaic.version = 14 : i64} {
  func.func @body(%arg0: memref<10000x64xf32, #tpu.memory_space<vmem>>, %arg1: memref<2x10112x64xf32, #tpu.memory_space<vmem>>, %arg2: memref<1x1xf32, #tpu.memory_space<vmem>>, %arg3: memref<1x64xf32, #tpu.memory_space<vmem>>, %arg4: memref<64x64xf32, #tpu.memory_space<vmem>>, %arg5: memref<1x64xf32, #tpu.memory_space<vmem>>, %arg6: memref<1x64xf32, #tpu.memory_space<vmem>>, %arg7: memref<1x64xf32, #tpu.memory_space<vmem>>, %arg8: memref<64x64xf32, #tpu.memory_space<vmem>>, %arg9: memref<10000x64xf32, #tpu.memory_space<vmem>>, %arg10: memref<10000x64xf32, #tpu.memory_space<vmem>>) attributes {dimension_semantics = [], scalar_prefetch = 0 : i64, scratch_operands = 0 : i64, tpu.core_type = #tpu.core_type<tc>} {
    %get3A = arith.constant 0 : index
    %get3A_0 = arith.constant 0 : index
    %get3A_1 = arith.constant 0 : index
    %get3A_2 = vector.load %arg1[%get3A, %get3A_0, %get3A_1] : memref<2x10112x64xf32, #tpu.memory_space<vmem>>, vector<1x10000x64xf32>
    %get3A_3 = vector.shape_cast %get3A_2 : vector<1x10000x64xf32> to vector<10000x64xf32>
    %get3A_4 = arith.constant 1 : index
    %get3A_5 = arith.constant 0 : index
    %get3A_6 = arith.constant 0 : index
    %get3A_7 = vector.load %arg1[%get3A_4, %get3A_5, %get3A_6] : memref<2x10112x64xf32, #tpu.memory_space<vmem>>, vector<1x10000x64xf32>
    %get3A_8 = vector.shape_cast %get3A_7 : vector<1x10000x64xf32> to vector<10000x64xf32>
    %add3A = arith.addf %get3A_3, %get3A_8 : vector<10000x64xf32>
    %get3A_9 = arith.constant 0 : index
    %get3A_10 = arith.constant 0 : index
    %get3A_11 = vector.load %arg0[%get3A_9, %get3A_10] : memref<10000x64xf32, #tpu.memory_space<vmem>>, vector<10000x64xf32>
    %get3A_12 = arith.constant 0 : index
    %get3A_13 = arith.constant 0 : index
    %get3A_14 = vector.load %arg2[%get3A_12, %get3A_13] : memref<1x1xf32, #tpu.memory_space<vmem>>, vector<1x1xf32>
    %get3A_15 = vector.extract %get3A_14[0, 0] : f32 from vector<1x1xf32>
    %add3A_16 = arith.constant 1.000000e+00 : f32
    %add3A_17 = arith.addf %add3A_16, %get3A_15 : f32
    %mul3A = vector.broadcast %add3A_17 : f32 to vector<10000x64xf32>
    %mul3A_18 = arith.mulf %get3A_11, %mul3A : vector<10000x64xf32>
    %add3A_19 = arith.addf %mul3A_18, %add3A : vector<10000x64xf32>
    %get3A_20 = arith.constant 0 : index
    %get3A_21 = arith.constant 0 : index
    %get3A_22 = vector.load %arg3[%get3A_20, %get3A_21] : memref<1x64xf32, #tpu.memory_space<vmem>>, vector<1x64xf32>
    %add3A_23 = vector.broadcast %get3A_22 : vector<1x64xf32> to vector<10000x64xf32>
    %add3A_24 = arith.addf %add3A_19, %add3A_23 : vector<10000x64xf32>
    %max3A = arith.constant 0.000000e+00 : f32
    %max3A_25 = vector.broadcast %max3A : f32 to vector<10000x64xf32>
    %max3A_26 = arith.maximumf %add3A_24, %max3A_25 : vector<10000x64xf32>
    %get3A_27 = arith.constant 0 : index
    %get3A_28 = arith.constant 0 : index
    %get3A_29 = vector.load %arg4[%get3A_27, %get3A_28] : memref<64x64xf32, #tpu.memory_space<vmem>>, vector<64x64xf32>
    %dot_general3A = arith.constant dense<0.000000e+00> : vector<10000x64xf32>
    %dot_general3A_30 = tpu.matmul %max3A_26, %get3A_29, %dot_general3A {dimension_numbers = #tpu.dot_dimension_numbers<[1], [0], [0], [1], [0, 0, 1, 1], [], []>, transpose_lhs_hint = false} : vector<10000x64xf32>, vector<64x64xf32>, vector<10000x64xf32> -> vector<10000x64xf32>
    %get3A_31 = arith.constant 0 : index
    %get3A_32 = arith.constant 0 : index
    %get3A_33 = vector.load %arg5[%get3A_31, %get3A_32] : memref<1x64xf32, #tpu.memory_space<vmem>>, vector<1x64xf32>
    %add3A_34 = vector.broadcast %get3A_33 : vector<1x64xf32> to vector<10000x64xf32>
    %add3A_35 = arith.addf %dot_general3A_30, %add3A_34 : vector<10000x64xf32>
    %max3A_36 = arith.constant 0.000000e+00 : f32
    %max3A_37 = vector.broadcast %max3A_36 : f32 to vector<10000x64xf32>
    %max3A_38 = arith.maximumf %add3A_35, %max3A_37 : vector<10000x64xf32>
    %reduce_sum3A = arith.constant dense<0.000000e+00> : vector<64xf32>
    %reduce_sum3A_39 = vector.multi_reduction <add>, %max3A_38, %reduce_sum3A [0] : vector<10000x64xf32> to vector<64xf32>
    %broadcast_in_dim3A = vector.shape_cast %reduce_sum3A_39 : vector<64xf32> to vector<1x64xf32>
    %div3A = arith.constant 1.000000e+04 : f32
    %div3A_40 = vector.broadcast %div3A : f32 to vector<1x64xf32>
    %div3A_41 = arith.divf %broadcast_in_dim3A, %div3A_40 : vector<1x64xf32>
    %sub3A = vector.broadcast %div3A_41 : vector<1x64xf32> to vector<10000x64xf32>
    %sub3A_42 = arith.subf %max3A_38, %sub3A : vector<10000x64xf32>
    %mul3A_43 = arith.mulf %sub3A_42, %sub3A_42 : vector<10000x64xf32>
    %reduce_sum3A_44 = arith.constant dense<0.000000e+00> : vector<64xf32>
    %reduce_sum3A_45 = vector.multi_reduction <add>, %mul3A_43, %reduce_sum3A_44 [0] : vector<10000x64xf32> to vector<64xf32>
    %broadcast_in_dim3A_46 = vector.shape_cast %reduce_sum3A_45 : vector<64xf32> to vector<1x64xf32>
    %div3A_47 = arith.constant 1.000000e+04 : f32
    %div3A_48 = vector.broadcast %div3A_47 : f32 to vector<1x64xf32>
    %div3A_49 = arith.divf %broadcast_in_dim3A_46, %div3A_48 : vector<1x64xf32>
    %add3A_50 = arith.constant 9.99999974E-6 : f32
    %add3A_51 = vector.broadcast %add3A_50 : f32 to vector<1x64xf32>
    %add3A_52 = arith.addf %div3A_49, %add3A_51 : vector<1x64xf32>
    %rsqrt3A = math.rsqrt %add3A_52 : vector<1x64xf32>
    %mul3A_53 = vector.broadcast %rsqrt3A : vector<1x64xf32> to vector<10000x64xf32>
    %mul3A_54 = arith.mulf %sub3A_42, %mul3A_53 : vector<10000x64xf32>
    %get3A_55 = arith.constant 0 : index
    %get3A_56 = arith.constant 0 : index
    %get3A_57 = vector.load %arg6[%get3A_55, %get3A_56] : memref<1x64xf32, #tpu.memory_space<vmem>>, vector<1x64xf32>
    %mul3A_58 = vector.broadcast %get3A_57 : vector<1x64xf32> to vector<10000x64xf32>
    %mul3A_59 = arith.mulf %mul3A_54, %mul3A_58 : vector<10000x64xf32>
    %get3A_60 = arith.constant 0 : index
    %get3A_61 = arith.constant 0 : index
    %get3A_62 = vector.load %arg7[%get3A_60, %get3A_61] : memref<1x64xf32, #tpu.memory_space<vmem>>, vector<1x64xf32>
    %add3A_63 = vector.broadcast %get3A_62 : vector<1x64xf32> to vector<10000x64xf32>
    %add3A_64 = arith.addf %mul3A_59, %add3A_63 : vector<10000x64xf32>
    %swap3A = arith.constant 0 : index
    %swap3A_65 = arith.constant 0 : index
    %swap3A_66 = vector.load %arg9[%swap3A, %swap3A_65] : memref<10000x64xf32, #tpu.memory_space<vmem>>, vector<10000x64xf32>
    tpu.vector_store %arg9[%swap3A, %swap3A_65], %add3A_64 {strides = array<i32>} : memref<10000x64xf32, #tpu.memory_space<vmem>>, vector<10000x64xf32>,
    %get3A_67 = arith.constant 0 : index
    %get3A_68 = arith.constant 0 : index
    %get3A_69 = vector.load %arg8[%get3A_67, %get3A_68] : memref<64x64xf32, #tpu.memory_space<vmem>>, vector<64x64xf32>
    %dot_general3A_70 = arith.constant dense<0.000000e+00> : vector<10000x64xf32>
    %dot_general3A_71 = tpu.matmul %add3A_64, %get3A_69, %dot_general3A_70 {dimension_numbers = #tpu.dot_dimension_numbers<[1], [0], [0], [1], [0, 0, 1, 1], [], []>, transpose_lhs_hint = false} : vector<10000x64xf32>, vector<64x64xf32>, vector<10000x64xf32> -> vector<10000x64xf32>
    %swap3A_72 = arith.constant 0 : index
    %swap3A_73 = arith.constant 0 : index
    %swap3A_74 = vector.load %arg10[%swap3A_72, %swap3A_73] : memref<10000x64xf32, #tpu.memory_space<vmem>>, vector<10000x64xf32>
    tpu.vector_store %arg10[%swap3A_72, %swap3A_73], %dot_general3A_71 {strides = array<i32>} : memref<10000x64xf32, #tpu.memory_space<vmem>>, vector<10000x64xf32>,
    return
  }
}

module attributes {stable_mosaic.version = 14 : i64} {
  func.func @body(%arg0: memref<10000x64xf32, #tpu.memory_space<vmem>>, %arg1: memref<2x10112x64xf32, #tpu.memory_space<vmem>>, %arg2: memref<1x1xf32, #tpu.memory_space<vmem>>, %arg3: memref<1x64xf32, #tpu.memory_space<vmem>>, %arg4: memref<64x64xf32, #tpu.memory_space<vmem>>, %arg5: memref<1x64xf32, #tpu.memory_space<vmem>>, %arg6: memref<1x64xf32, #tpu.memory_space<vmem>>, %arg7: memref<1x64xf32, #tpu.memory_space<vmem>>, %arg8: memref<64x64xf32, #tpu.memory_space<vmem>>, %arg9: memref<10000x64xf32, #tpu.memory_space<vmem>>, %arg10: memref<10000x64xf32, #tpu.memory_space<vmem>>) attributes {dimension_semantics = [], scalar_prefetch = 0 : i64, scratch_operands = 0 : i64, tpu.core_type = #tpu.core_type<tc>} {
    %get3A = arith.constant 0 : index
    %get3A_0 = arith.constant 0 : index
    %get3A_1 = arith.constant 0 : index
    %get3A_2 = vector.load %arg1[%get3A, %get3A_0, %get3A_1] : memref<2x10112x64xf32, #tpu.memory_space<vmem>>, vector<1x10000x64xf32>
    %get3A_3 = vector.shape_cast %get3A_2 : vector<1x10000x64xf32> to vector<10000x64xf32>
    %get3A_4 = arith.constant 1 : index
    %get3A_5 = arith.constant 0 : index
    %get3A_6 = arith.constant 0 : index
    %get3A_7 = vector.load %arg1[%get3A_4, %get3A_5, %get3A_6] : memref<2x10112x64xf32, #tpu.memory_space<vmem>>, vector<1x10000x64xf32>
    %get3A_8 = vector.shape_cast %get3A_7 : vector<1x10000x64xf32> to vector<10000x64xf32>
    %add3A = arith.addf %get3A_3, %get3A_8 : vector<10000x64xf32>
    %get3A_9 = arith.constant 0 : index
    %get3A_10 = arith.constant 0 : index
    %get3A_11 = vector.load %arg0[%get3A_9, %get3A_10] : memref<10000x64xf32, #tpu.memory_space<vmem>>, vector<10000x64xf32>
    %get3A_12 = arith.constant 0 : index
    %get3A_13 = arith.constant 0 : index
    %get3A_14 = vector.load %arg2[%get3A_12, %get3A_13] : memref<1x1xf32, #tpu.memory_space<vmem>>, vector<1x1xf32>
    %get3A_15 = vector.extract %get3A_14[0, 0] : f32 from vector<1x1xf32>
    %add3A_16 = arith.constant 1.000000e+00 : f32
    %add3A_17 = arith.addf %add3A_16, %get3A_15 : f32
    %mul3A = vector.broadcast %add3A_17 : f32 to vector<10000x64xf32>
    %mul3A_18 = arith.mulf %get3A_11, %mul3A : vector<10000x64xf32>
    %add3A_19 = arith.addf %mul3A_18, %add3A : vector<10000x64xf32>
    %get3A_20 = arith.constant 0 : index
    %get3A_21 = arith.constant 0 : index
    %get3A_22 = vector.load %arg3[%get3A_20, %get3A_21] : memref<1x64xf32, #tpu.memory_space<vmem>>, vector<1x64xf32>
    %add3A_23 = vector.broadcast %get3A_22 : vector<1x64xf32> to vector<10000x64xf32>
    %add3A_24 = arith.addf %add3A_19, %add3A_23 : vector<10000x64xf32>
    %max3A = arith.constant 0.000000e+00 : f32
    %max3A_25 = vector.broadcast %max3A : f32 to vector<10000x64xf32>
    %max3A_26 = arith.maximumf %add3A_24, %max3A_25 : vector<10000x64xf32>
    %get3A_27 = arith.constant 0 : index
    %get3A_28 = arith.constant 0 : index
    %get3A_29 = vector.load %arg4[%get3A_27, %get3A_28] : memref<64x64xf32, #tpu.memory_space<vmem>>, vector<64x64xf32>
    %dot_general3A = arith.constant dense<0.000000e+00> : vector<10000x64xf32>
    %dot_general3A_30 = tpu.matmul %max3A_26, %get3A_29, %dot_general3A {dimension_numbers = #tpu.dot_dimension_numbers<[1], [0], [0], [1], [0, 0, 1, 1], [], []>, transpose_lhs_hint = false} : vector<10000x64xf32>, vector<64x64xf32>, vector<10000x64xf32> -> vector<10000x64xf32>
    %get3A_31 = arith.constant 0 : index
    %get3A_32 = arith.constant 0 : index
    %get3A_33 = vector.load %arg5[%get3A_31, %get3A_32] : memref<1x64xf32, #tpu.memory_space<vmem>>, vector<1x64xf32>
    %add3A_34 = vector.broadcast %get3A_33 : vector<1x64xf32> to vector<10000x64xf32>
    %add3A_35 = arith.addf %dot_general3A_30, %add3A_34 : vector<10000x64xf32>
    %max3A_36 = arith.constant 0.000000e+00 : f32
    %max3A_37 = vector.broadcast %max3A_36 : f32 to vector<10000x64xf32>
    %max3A_38 = arith.maximumf %add3A_35, %max3A_37 : vector<10000x64xf32>
    %reduce_sum3A = arith.constant dense<0.000000e+00> : vector<64xf32>
    %reduce_sum3A_39 = vector.multi_reduction <add>, %max3A_38, %reduce_sum3A [0] : vector<10000x64xf32> to vector<64xf32>
    %broadcast_in_dim3A = vector.shape_cast %reduce_sum3A_39 : vector<64xf32> to vector<1x64xf32>
    %div3A = arith.constant 1.000000e+04 : f32
    %div3A_40 = vector.broadcast %div3A : f32 to vector<1x64xf32>
    %div3A_41 = arith.divf %broadcast_in_dim3A, %div3A_40 : vector<1x64xf32>
    %sub3A = vector.broadcast %div3A_41 : vector<1x64xf32> to vector<10000x64xf32>
    %sub3A_42 = arith.subf %max3A_38, %sub3A : vector<10000x64xf32>
    %mul3A_43 = arith.mulf %sub3A_42, %sub3A_42 : vector<10000x64xf32>
    %reduce_sum3A_44 = arith.constant dense<0.000000e+00> : vector<64xf32>
    %reduce_sum3A_45 = vector.multi_reduction <add>, %mul3A_43, %reduce_sum3A_44 [0] : vector<10000x64xf32> to vector<64xf32>
    %broadcast_in_dim3A_46 = vector.shape_cast %reduce_sum3A_45 : vector<64xf32> to vector<1x64xf32>
    %div3A_47 = arith.constant 1.000000e+04 : f32
    %div3A_48 = vector.broadcast %div3A_47 : f32 to vector<1x64xf32>
    %div3A_49 = arith.divf %broadcast_in_dim3A_46, %div3A_48 : vector<1x64xf32>
    %add3A_50 = arith.constant 9.99999974E-6 : f32
    %add3A_51 = vector.broadcast %add3A_50 : f32 to vector<1x64xf32>
    %add3A_52 = arith.addf %div3A_49, %add3A_51 : vector<1x64xf32>
    %rsqrt3A = math.rsqrt %add3A_52 : vector<1x64xf32>
    %mul3A_53 = vector.broadcast %rsqrt3A : vector<1x64xf32> to vector<10000x64xf32>
    %mul3A_54 = arith.mulf %sub3A_42, %mul3A_53 : vector<10000x64xf32>
    %get3A_55 = arith.constant 0 : index
    %get3A_56 = arith.constant 0 : index
    %get3A_57 = vector.load %arg6[%get3A_55, %get3A_56] : memref<1x64xf32, #tpu.memory_space<vmem>>, vector<1x64xf32>
    %mul3A_58 = vector.broadcast %get3A_57 : vector<1x64xf32> to vector<10000x64xf32>
    %mul3A_59 = arith.mulf %mul3A_54, %mul3A_58 : vector<10000x64xf32>
    %get3A_60 = arith.constant 0 : index
    %get3A_61 = arith.constant 0 : index
    %get3A_62 = vector.load %arg7[%get3A_60, %get3A_61] : memref<1x64xf32, #tpu.memory_space<vmem>>, vector<1x64xf32>
    %add3A_63 = vector.broadcast %get3A_62 : vector<1x64xf32> to vector<10000x64xf32>
    %add3A_64 = arith.addf %mul3A_59, %add3A_63 : vector<10000x64xf32>
    %swap3A = arith.constant 0 : index
    %swap3A_65 = arith.constant 0 : index
    %swap3A_66 = vector.load %arg9[%swap3A, %swap3A_65] : memref<10000x64xf32, #tpu.memory_space<vmem>>, vector<10000x64xf32>
    tpu.vector_store %arg9[%swap3A, %swap3A_65], %add3A_64 {strides = array<i32>} : memref<10000x64xf32, #tpu.memory_space<vmem>>, vector<10000x64xf32>,
    %get3A_67 = arith.constant 0 : index
    %get3A_68 = arith.constant 0 : index
    %get3A_69 = vector.load %arg8[%get3A_67, %get3A_68] : memref<64x64xf32, #tpu.memory_space<vmem>>, vector<64x64xf32>
    %dot_general3A_70 = arith.constant dense<0.000000e+00> : vector<10000x64xf32>
    %dot_general3A_71 = tpu.matmul %add3A_64, %get3A_69, %dot_general3A_70 {dimension_numbers = #tpu.dot_dimension_numbers<[1], [0], [0], [1], [0, 0, 1, 1], [], []>, transpose_lhs_hint = false} : vector<10000x64xf32>, vector<64x64xf32>, vector<10000x64xf32> -> vector<10000x64xf32>
    %swap3A_72 = arith.constant 0 : index
    %swap3A_73 = arith.constant 0 : index
    %swap3A_74 = vector.load %arg10[%swap3A_72, %swap3A_73] : memref<10000x64xf32, #tpu.memory_space<vmem>>, vector<10000x64xf32>
    tpu.vector_store %arg10[%swap3A_72, %swap3A_73], %dot_general3A_71 {strides = array<i32>} : memref<10000x64xf32, #tpu.memory_space<vmem>>, vector<10000x64xf32>,
    return
  }
}

module attributes {stable_mosaic.version = 14 : i64} {
  func.func @body(%arg0: memref<10000x64xf32, #tpu.memory_space<vmem>>, %arg1: memref<10000x64xf32, #tpu.memory_space<vmem>>, %arg2: memref<10000x64xf32, #tpu.memory_space<vmem>>, %arg3: memref<1x10000xi32, #tpu.memory_space<vmem>>, %arg4: memref<64x128xf32, #tpu.memory_space<vmem>>, %arg5: memref<64x128xf32, #tpu.memory_space<vmem>>, %arg6: memref<64x128xf32, #tpu.memory_space<vmem>>, %arg7: memref<1x128xf32, #tpu.memory_space<vmem>>, %arg8: memref<128x64xf32, #tpu.memory_space<vmem>>, %arg9: memref<1x64xf32, #tpu.memory_space<vmem>>, %arg10: memref<64x64xf32, #tpu.memory_space<vmem>>, %arg11: memref<1x64xf32, #tpu.memory_space<vmem>>, %arg12: memref<64x16xf32, #tpu.memory_space<vmem>>, %arg13: memref<1x16xf32, #tpu.memory_space<vmem>>, %arg14: memref<64x16xf32, #tpu.memory_space<vmem>>) attributes {dimension_semantics = [], scalar_prefetch = 0 : i64, scratch_operands = 0 : i64, tpu.core_type = #tpu.core_type<tc>} {
    %iota3A = tpu.iota {dimensions = array<i32: 0>} : vector<64x10000xi32>
    %get3A = arith.constant 0 : index
    %get3A_0 = arith.constant 0 : index
    %get3A_1 = vector.load %arg3[%get3A, %get3A_0] : memref<1x10000xi32, #tpu.memory_space<vmem>>, vector<1x10000xi32>
    %eq3A = vector.broadcast %get3A_1 : vector<1x10000xi32> to vector<64x10000xi32>
    %eq3A_2 = arith.cmpi eq, %iota3A, %eq3A : vector<64x10000xi32>
    %convert_element_type3A = arith.extui %eq3A_2 : vector<64x10000xi1> to vector<64x10000xi32>
    %convert_element_type3A_3 = arith.sitofp %convert_element_type3A : vector<64x10000xi32> to vector<64x10000xf32>
    %reduce_sum3A = arith.constant dense<0.000000e+00> : vector<64xf32>
    %reduce_sum3A_4 = vector.multi_reduction <add>, %convert_element_type3A_3, %reduce_sum3A [1] : vector<64x10000xf32> to vector<64xf32>
    %broadcast_in_dim3A = vector.shape_cast %reduce_sum3A_4 : vector<64xf32> to vector<64x1xf32>
    %max3A = arith.constant 1.000000e+00 : f32
    %max3A_5 = vector.broadcast %max3A : f32 to vector<64x1xf32>
    %max3A_6 = arith.maximumf %broadcast_in_dim3A, %max3A_5 : vector<64x1xf32>
    %div3A = arith.constant 1.000000e+00 : f32
    %div3A_7 = vector.broadcast %div3A : f32 to vector<64x1xf32>
    %div3A_8 = arith.divf %div3A_7, %max3A_6 : vector<64x1xf32>
    %get3A_9 = arith.constant 0 : index
    %get3A_10 = arith.constant 0 : index
    %get3A_11 = vector.load %arg0[%get3A_9, %get3A_10] : memref<10000x64xf32, #tpu.memory_space<vmem>>, vector<10000x64xf32>
    %dot_general3A = arith.constant dense<0.000000e+00> : vector<64x64xf32>
    %dot_general3A_12 = tpu.matmul %convert_element_type3A_3, %get3A_11, %dot_general3A {dimension_numbers = #tpu.dot_dimension_numbers<[1], [0], [0], [1], [0, 0, 1, 1], [], []>, transpose_lhs_hint = false} : vector<64x10000xf32>, vector<10000x64xf32>, vector<64x64xf32> -> vector<64x64xf32>
    %get3A_13 = arith.constant 0 : index
    %get3A_14 = arith.constant 0 : index
    %get3A_15 = vector.load %arg1[%get3A_13, %get3A_14] : memref<10000x64xf32, #tpu.memory_space<vmem>>, vector<10000x64xf32>
    %dot_general3A_16 = arith.constant dense<0.000000e+00> : vector<64x64xf32>
    %dot_general3A_17 = tpu.matmul %convert_element_type3A_3, %get3A_15, %dot_general3A_16 {dimension_numbers = #tpu.dot_dimension_numbers<[1], [0], [0], [1], [0, 0, 1, 1], [], []>, transpose_lhs_hint = false} : vector<64x10000xf32>, vector<10000x64xf32>, vector<64x64xf32> -> vector<64x64xf32>
    %get3A_18 = arith.constant 0 : index
    %get3A_19 = arith.constant 0 : index
    %get3A_20 = vector.load %arg2[%get3A_18, %get3A_19] : memref<10000x64xf32, #tpu.memory_space<vmem>>, vector<10000x64xf32>
    %dot_general3A_21 = arith.constant dense<0.000000e+00> : vector<64x64xf32>
    %dot_general3A_22 = tpu.matmul %convert_element_type3A_3, %get3A_20, %dot_general3A_21 {dimension_numbers = #tpu.dot_dimension_numbers<[1], [0], [0], [1], [0, 0, 1, 1], [], []>, transpose_lhs_hint = false} : vector<64x10000xf32>, vector<10000x64xf32>, vector<64x64xf32> -> vector<64x64xf32>
    %get3A_23 = arith.constant 0 : index
    %get3A_24 = arith.constant 0 : index
    %get3A_25 = vector.load %arg4[%get3A_23, %get3A_24] : memref<64x128xf32, #tpu.memory_space<vmem>>, vector<64x128xf32>
    %dot_general3A_26 = arith.constant dense<0.000000e+00> : vector<64x128xf32>
    %dot_general3A_27 = tpu.matmul %dot_general3A_12, %get3A_25, %dot_general3A_26 {dimension_numbers = #tpu.dot_dimension_numbers<[1], [0], [0], [1], [0, 0, 1, 1], [], []>, transpose_lhs_hint = false} : vector<64x64xf32>, vector<64x128xf32>, vector<64x128xf32> -> vector<64x128xf32>
    %get3A_28 = arith.constant 0 : index
    %get3A_29 = arith.constant 0 : index
    %get3A_30 = vector.load %arg5[%get3A_28, %get3A_29] : memref<64x128xf32, #tpu.memory_space<vmem>>, vector<64x128xf32>
    %dot_general3A_31 = arith.constant dense<0.000000e+00> : vector<64x128xf32>
    %dot_general3A_32 = tpu.matmul %dot_general3A_17, %get3A_30, %dot_general3A_31 {dimension_numbers = #tpu.dot_dimension_numbers<[1], [0], [0], [1], [0, 0, 1, 1], [], []>, transpose_lhs_hint = false} : vector<64x64xf32>, vector<64x128xf32>, vector<64x128xf32> -> vector<64x128xf32>
    %add3A = arith.addf %dot_general3A_27, %dot_general3A_32 : vector<64x128xf32>
    %get3A_33 = arith.constant 0 : index
    %get3A_34 = arith.constant 0 : index
    %get3A_35 = vector.load %arg6[%get3A_33, %get3A_34] : memref<64x128xf32, #tpu.memory_space<vmem>>, vector<64x128xf32>
    %dot_general3A_36 = arith.constant dense<0.000000e+00> : vector<64x128xf32>
    %dot_general3A_37 = tpu.matmul %dot_general3A_22, %get3A_35, %dot_general3A_36 {dimension_numbers = #tpu.dot_dimension_numbers<[1], [0], [0], [1], [0, 0, 1, 1], [], []>, transpose_lhs_hint = false} : vector<64x64xf32>, vector<64x128xf32>, vector<64x128xf32> -> vector<64x128xf32>
    %add3A_38 = arith.addf %add3A, %dot_general3A_37 : vector<64x128xf32>
    %mul3A = vector.broadcast %div3A_8 : vector<64x1xf32> to vector<64x128xf32>
    %mul3A_39 = arith.mulf %add3A_38, %mul3A : vector<64x128xf32>
    %get3A_40 = arith.constant 0 : index
    %get3A_41 = arith.constant 0 : index
    %get3A_42 = vector.load %arg7[%get3A_40, %get3A_41] : memref<1x128xf32, #tpu.memory_space<vmem>>, vector<1x128xf32>
    %add3A_43 = vector.broadcast %get3A_42 : vector<1x128xf32> to vector<64x128xf32>
    %add3A_44 = arith.addf %mul3A_39, %add3A_43 : vector<64x128xf32>
    %max3A_45 = arith.constant 0.000000e+00 : f32
    %max3A_46 = vector.broadcast %max3A_45 : f32 to vector<64x128xf32>
    %max3A_47 = arith.maximumf %add3A_44, %max3A_46 : vector<64x128xf32>
    %get3A_48 = arith.constant 0 : index
    %get3A_49 = arith.constant 0 : index
    %get3A_50 = vector.load %arg8[%get3A_48, %get3A_49] : memref<128x64xf32, #tpu.memory_space<vmem>>, vector<128x64xf32>
    %dot_general3A_51 = arith.constant dense<0.000000e+00> : vector<64x64xf32>
    %dot_general3A_52 = tpu.matmul %max3A_47, %get3A_50, %dot_general3A_51 {dimension_numbers = #tpu.dot_dimension_numbers<[1], [0], [0], [1], [0, 0, 1, 1], [], []>, transpose_lhs_hint = false} : vector<64x128xf32>, vector<128x64xf32>, vector<64x64xf32> -> vector<64x64xf32>
    %get3A_53 = arith.constant 0 : index
    %get3A_54 = arith.constant 0 : index
    %get3A_55 = vector.load %arg9[%get3A_53, %get3A_54] : memref<1x64xf32, #tpu.memory_space<vmem>>, vector<1x64xf32>
    %add3A_56 = vector.broadcast %get3A_55 : vector<1x64xf32> to vector<64x64xf32>
    %add3A_57 = arith.addf %dot_general3A_52, %add3A_56 : vector<64x64xf32>
    %max3A_58 = arith.constant 0.000000e+00 : f32
    %max3A_59 = vector.broadcast %max3A_58 : f32 to vector<64x64xf32>
    %max3A_60 = arith.maximumf %add3A_57, %max3A_59 : vector<64x64xf32>
    %get3A_61 = arith.constant 0 : index
    %get3A_62 = arith.constant 0 : index
    %get3A_63 = vector.load %arg10[%get3A_61, %get3A_62] : memref<64x64xf32, #tpu.memory_space<vmem>>, vector<64x64xf32>
    %dot_general3A_64 = arith.constant dense<0.000000e+00> : vector<64x64xf32>
    %dot_general3A_65 = tpu.matmul %max3A_60, %get3A_63, %dot_general3A_64 {dimension_numbers = #tpu.dot_dimension_numbers<[1], [0], [0], [1], [0, 0, 1, 1], [], []>, transpose_lhs_hint = false} : vector<64x64xf32>, vector<64x64xf32>, vector<64x64xf32> -> vector<64x64xf32>
    %get3A_66 = arith.constant 0 : index
    %get3A_67 = arith.constant 0 : index
    %get3A_68 = vector.load %arg11[%get3A_66, %get3A_67] : memref<1x64xf32, #tpu.memory_space<vmem>>, vector<1x64xf32>
    %add3A_69 = vector.broadcast %get3A_68 : vector<1x64xf32> to vector<64x64xf32>
    %add3A_70 = arith.addf %dot_general3A_65, %add3A_69 : vector<64x64xf32>
    %max3A_71 = arith.constant 0.000000e+00 : f32
    %max3A_72 = vector.broadcast %max3A_71 : f32 to vector<64x64xf32>
    %max3A_73 = arith.maximumf %add3A_70, %max3A_72 : vector<64x64xf32>
    %get3A_74 = arith.constant 0 : index
    %get3A_75 = arith.constant 0 : index
    %get3A_76 = vector.load %arg12[%get3A_74, %get3A_75] : memref<64x16xf32, #tpu.memory_space<vmem>>, vector<64x16xf32>
    %dot_general3A_77 = arith.constant dense<0.000000e+00> : vector<64x16xf32>
    %dot_general3A_78 = tpu.matmul %max3A_73, %get3A_76, %dot_general3A_77 {dimension_numbers = #tpu.dot_dimension_numbers<[1], [0], [0], [1], [0, 0, 1, 1], [], []>, transpose_lhs_hint = false} : vector<64x64xf32>, vector<64x16xf32>, vector<64x16xf32> -> vector<64x16xf32>
    %get3A_79 = arith.constant 0 : index
    %get3A_80 = arith.constant 0 : index
    %get3A_81 = vector.load %arg13[%get3A_79, %get3A_80] : memref<1x16xf32, #tpu.memory_space<vmem>>, vector<1x16xf32>
    %add3A_82 = vector.broadcast %get3A_81 : vector<1x16xf32> to vector<64x16xf32>
    %add3A_83 = arith.addf %dot_general3A_78, %add3A_82 : vector<64x16xf32>
    %reduce_max3A = arith.constant dense<0xFF800000> : vector<64xf32>
    %reduce_max3A_84 = vector.multi_reduction <maximumf>, %add3A_83, %reduce_max3A [1] : vector<64x16xf32> to vector<64xf32>
    %broadcast_in_dim3A_85 = vector.shape_cast %reduce_max3A_84 : vector<64xf32> to vector<64x1xf32>
    %sub3A = vector.broadcast %broadcast_in_dim3A_85 : vector<64x1xf32> to vector<64x16xf32>
    %sub3A_86 = arith.subf %add3A_83, %sub3A : vector<64x16xf32>
    %exp3A = math.exp %sub3A_86 : vector<64x16xf32>
    %sub3A_87 = vector.broadcast %broadcast_in_dim3A_85 : vector<64x1xf32> to vector<64x16xf32>
    %sub3A_88 = arith.subf %add3A_83, %sub3A_87 : vector<64x16xf32>
    %reduce_sum3A_89 = arith.constant dense<0.000000e+00> : vector<64xf32>
    %reduce_sum3A_90 = vector.multi_reduction <add>, %exp3A, %reduce_sum3A_89 [1] : vector<64x16xf32> to vector<64xf32>
    %broadcast_in_dim3A_91 = vector.shape_cast %reduce_sum3A_90 : vector<64xf32> to vector<64x1xf32>
    %log3A = math.log %broadcast_in_dim3A_91 : vector<64x1xf32>
    %sub3A_92 = vector.broadcast %log3A : vector<64x1xf32> to vector<64x16xf32>
    %sub3A_93 = arith.subf %sub3A_88, %sub3A_92 : vector<64x16xf32>
    %swap3A = arith.constant 0 : index
    %swap3A_94 = arith.constant 0 : index
    %swap3A_95 = vector.load %arg14[%swap3A, %swap3A_94] : memref<64x16xf32, #tpu.memory_space<vmem>>, vector<64x16xf32>
    tpu.vector_store %arg14[%swap3A, %swap3A_94], %sub3A_93 {strides = array<i32>} : memref<64x16xf32, #tpu.memory_space<vmem>>, vector<64x16xf32>,
    return
  }
}

</mosaic_0001>

<sc_bundles>
// kernel: kernel.10.cloned.1.call-start
scs
__scs_entry_jumppad:
0x0: {  	(pc) =	sbr.rel $0x88, $3  }
0x1: {  	(tag) =	ssettag $0x0;
	lr =	simm.s32 $0x1  }
0x2: {  	[smem:$0x3F81] =	sst lr;
	_ =	strace $0xD0000000  }
0x3: {  	_ = 	snop  }
0x4: {  	_ = 	snop  }
0x5: {  	_ = 	snop  }
0x6: {  	_ = 	snop  }
0x7: {  	_ = 	snop  }
__scs_overlays_trampoline_lowered:
0x8: {  	[smem:$0x3F90] =	sst s0  }
0x9: {  	[smem:$0x3F91] =	sst s1  }
0xa: {  	[smem:$0x3F92] =	sst s2  }
0xb: {  	[smem:$0x3F93] =	sst s3  }
0xc: {  	[smem:$0x3F94] =	sst s4  }
0xd: {  	[smem:$0x3F95] =	sst s5  }
0xe: {  	[smem:$0x3F96] =	sst s6  }
0xf: {  	[smem:$0x3F97] =	sst s7  }
0x10: {  	[smem:$0x3F98] =	sst s8  }
0x11: {  	[smem:$0x3F99] =	sst s9;
	s0 =	simm.s32 @!p0 $0x0  }
0x12: {  	s1 =	sld [smem:$0x3F7F];
	s0 =	simm.s32 @p0 $0x1  }
0x13: {  	[smem:$0x3F9A] =	sst s0;
	s0 =	simm.s32 @!p1 $0x0  }
0x14: {  	s2 =	sld [smem:$0x3F7E];
	s0 =	simm.s32 @p1 $0x1  }
0x15: {  	[smem:$0x3F9B] =	sst s0;
	s0 =	simm.s32 @!p2 $0x0  }
0x16: {  	s3 =	sld [smem:$0x3FDB];
	s0 =	simm.s32 @p2 $0x1  }
0x17: {  	s4 =	simm.s32 $0x1BF5;
	[smem:$0x3F9D] =	sst s0  }
0x18: {  	s0 =	sld [smem:$0x3F80];
	_ =	swait.ge [sflag:s4], $0x0  }
0x19: {  	s7 =	sld [smem:$0x3F81]  }
0x1a: {  	s8 =	sadd.s32 $0xFFFFE003, lr  }
0x1b: {  	s9 =	sadd.s32 $0xFFFFFEF7, lr;
	s5 =	simm.s32 $0xFFFFFFFF;
	p2 =	slt.u32 s8, $0xFFFFF086  }
0x1c: {  	p1 =	slt.u32 s9, $0xF7A;
	s5 =	simm.s32 @!p2 $0x0  }
0x1d: {  	s5 =	simm.s32 @p1 $0x1;
	p0 =	seq.s32 s7, s2  }
0x1e: {  	s7 =	smul.u32 @!p0 $0xF7A, s2;
	p2 =	seq.s32 @!p0 s5, $0x0  }
0x1f: {  	s9 =	smul.u32 $0xF7A, s1;
	s8 =	simm.s32 @!p0 $0x1BF5;
	p2 =	por !p2, p0  }
0x20: {  	[sflag:s8] =	ssyncset.s32 @!p0 $0xFFFFF086;
	s6 =	sadd.s32 @!p0 s3, s7;
	s7 =	simm.s32 @!p0 $0x108  }
0x21: {  	s3 =	sadd.s32 s3, s9;
	s6 =	sadd.s32 @!p0 $0x88, s6;
	s7 =	simm.s32 @p2 $0x1082  }
0x22: {  	[simem:s7], [sflag:s8] =	dma.local @!p0 [hbm:s6], $0xF7A  }
0x23: {  	s9 =	sor.u32 $0xD0000000, s2;
	s6 =	simm.s32 $0x108;
	_ =	swait.ge @!p0 [sflag:s8], $0x0  }
0x24: {  	s3 =	sadd.s32 $0x88, s3;
	s6 =	simm.s32 @!p1 $0x1082;
	[sflag:s4] =	ssyncset.s32 $0xFFFFF086  }
0x25: {  	[simem:s6], [sflag:s4] =	dma.local [hbm:s3], $0xF7A  }
0x26: {  	[smem:$0x3F81] =	sst s1;
	(tag) =	ssettag s2;
	_ =	strace s9  }
0x27: {  	s1 =	sld [smem:$0x3F91]  }
0x28: {  	s2 =	sld [smem:$0x3F92]  }
0x29: {  	s4 =	sld [smem:$0x3F94]  }
0x2a: {  	p0 =	seq.s32 s5, $0x0;
	s5 =	sld [smem:$0x3F95]  }
0x2b: {  	s6 =	sld [smem:$0x3F96]  }
0x2c: {  	s7 =	sld [smem:$0x3F97]  }
0x2d: {  	s3 =	simm.s32 $0x108;
	s8 =	sld [smem:$0x3F98]  }
0x2e: {  	s3 =	simm.s32 @!p0 $0x1082;
	s9 =	sld [smem:$0x3F99]  }
0x2f: {  	lr =	sadd.s32 s0, s3;
	s0 =	sld [smem:$0x3F90]  }
0x30: {  	s3 =	sld [smem:$0x3F93]  }
0x31: {  	[smem:$0x3F9C] =	sst s10  }
0x32: {  	s10 =	sld [smem:$0x3F9A];
	_ =	sdelay $0x3  }
0x33: {  	p0 =	seq.s32 s10, $0x1;
	s10 =	sld [smem:$0x3F9C];
	_ =	sdelay $0x3  }
0x34: {  	[smem:$0x3F9C] =	sst s10  }
0x35: {  	s10 =	sld [smem:$0x3F9B];
	_ =	sdelay $0x3  }
0x36: {  	p1 =	seq.s32 s10, $0x1;
	s10 =	sld [smem:$0x3F9C];
	_ =	sdelay $0x3  }
0x37: {  	[smem:$0x3F9C] =	sst s10  }
0x38: {  	s10 =	sld [smem:$0x3F9D]  }
0x39: {  	_ = 	snop;
	(pc) =	sbr.ind lr, $3  }
0x3a: {  	_ = 	snop  }
0x3b: {  	_ = 	snop  }
0x3c: {  	p2 =	seq.s32 s10, $0x1;
	s10 =	sld [smem:$0x3F9C]  }
0x3d: {  	_ =	shalt  }
0x3e: {  	_ =	shalt  }
0x3f: {  	_ =	shalt  }
0x40: {  	_ =	shalt  }
0x41: {  	_ =	shalt  }
0x42: {  	_ =	shalt  }
0x43: {  	_ =	shalt  }
0x44: {  	_ =	shalt  }
0x45: {  	_ =	shalt  }
0x46: {  	_ =	shalt  }
0x47: {  	_ =	shalt  }
0x48: {  	_ =	shalt  }
0x49: {  	_ =	shalt  }
0x4a: {  	_ =	shalt  }
0x4b: {  	_ =	shalt  }
0x4c: {  	_ =	shalt  }
0x4d: {  	_ =	shalt  }
0x4e: {  	_ =	shalt  }
0x4f: {  	_ =	shalt  }
0x50: {  	_ =	shalt  }
0x51: {  	_ =	shalt  }
0x52: {  	_ =	shalt  }
0x53: {  	_ =	shalt  }
0x54: {  	_ =	shalt  }
0x55: {  	_ =	shalt  }
0x56: {  	_ =	shalt  }
0x57: {  	_ =	shalt  }
0x58: {  	_ =	shalt  }
0x59: {  	_ =	shalt  }
0x5a: {  	_ =	shalt  }
0x5b: {  	_ =	shalt  }
0x5c: {  	_ =	shalt  }
0x5d: {  	_ =	shalt  }
0x5e: {  	_ =	shalt  }
0x5f: {  	_ =	shalt  }
0x60: {  	_ =	shalt  }
0x61: {  	_ =	shalt  }
0x62: {  	_ =	shalt  }
0x63: {  	_ =	shalt  }
0x64: {  	_ =	shalt  }
0x65: {  	_ =	shalt  }
0x66: {  	_ =	shalt  }
0x67: {  	_ =	shalt  }
0x68: {  	_ =	shalt  }
0x69: {  	_ =	shalt  }
0x6a: {  	_ =	shalt  }
0x6b: {  	_ =	shalt  }
0x6c: {  	_ =	shalt  }
0x6d: {  	_ =	shalt  }
0x6e: {  	_ =	shalt  }
0x6f: {  	_ =	shalt  }
0x70: {  	_ =	shalt  }
0x71: {  	_ =	shalt  }
0x72: {  	_ =	shalt  }
0x73: {  	_ =	shalt  }
0x74: {  	_ =	shalt  }
0x75: {  	_ =	shalt  }
0x76: {  	_ =	shalt  }
0x77: {  	_ =	shalt  }
0x78: {  	_ =	shalt  }
0x79: {  	_ =	shalt  }
0x7a: {  	_ =	shalt  }
0x7b: {  	_ =	shalt  }
0x7c: {  	_ =	shalt  }
0x7d: {  	_ =	shalt  }
0x7e: {  	_ =	shalt  }
0x7f: {  	_ =	shalt  }
0x80: {  	_ =	shalt  }
0x81: {  	_ =	shalt  }
0x82: {  	_ =	shalt  }
0x83: {  	_ =	shalt  }
0x84: {  	_ =	shalt  }
0x85: {  	_ =	shalt  }
0x86: {  	_ =	shalt  }
0x87: {  	_ =	shalt  }
.Lfunc_end0:
.L_simem_size_0:
called_computation_lowered:
.L_overlay_start_0:
0x88: {  	s2 =	sld [smem:$0x3FD9]  }
0x89: {  	s3 =	sld [smem:$0x3FFE];
	_ =	sdelay $0x1  }
0x8a: {  	s1 =	srdreg.scid  }
0x8b: {  	s0 =	sand.u32 $0x1, s1  }
0x8c: {  	s16 =	sshll.u32 s0, $0xA;
	s2 =	sadd.s32 s3, s2  }
0x8d: {  	s2 =	sadd.s32 s2, s16  }
0x8e: {  	[smem:$0x3FA8] =	sst s2  }
0x8f: {  	_ = 	snop  }
0x90: {  	(tm) =	ssettm $0x1  }
0x91: {  	s17 =	sld [smem:$0x3FFB];
	_ =	sdelay $0x3  }
0x92: {  	_ =	strace s17  }
0x93: {  	s2 =	sld [smem:$0x3FFC];
	_ =	sdelay $0x3  }
0x94: {  	_ =	strace s2  }
0x95: {  	s2 =	sld [smem:$0x3FFD];
	_ =	sdelay $0x3  }
0x96: {  	_ =	strace s2  }
0x97: {  	_ =	strace $0x8FFFFFFF  }
0x98: {  	s18 =	sld [smem:$0x3FDB];
	_ =	sdelay $0x1  }
0x99: {  	s19 =	simm.s32 $_scs_section_size  }
0x9a: {  	s4 =	simm.s32 $_size__tile_overlayer_lowered;
	s5 =	simm.s32 $_tile_overlayer_lowered  }
0x9b: {  	s22 =	simm.s32 $0x1BFF;
	s21 =	sshll.u32 s5, $0x1;
	s2 =	sadd.s32 s19, s18  }
0x9c: {  	s6 =	simm.s32 $0x0;
	s20 =	sshll.u32 s4, $0x1;
	s4 =	sadd.s32 s21, s2  }
0x9d: {  	[timem:s6], [sflag:s22] =	dma.local [hbm:s4], s20  }
0x9e: {  	_ =	swait.ge [sflag:s22], s20  }
0x9f: {  	s3 =	ssub.s32 $0x0, s20;
	[sflag:s22] =	ssyncset.done $0x0  }
0xa0: {  	[sflag:s22] =	ssyncadd.s32 s3;
	_ =	sdelay $0x1  }
0xa1: {  	s23 =	simm.s32 $0x1B8B  }
0xa2: {  	_ =	swait.ge [sflag:s23], $0x1  }
0xa3: {  	[sflag:s23] =	ssyncset.done $0x0  }
0xa4: {  	s25 =	simm.s32 $0x1B8E;
	s24 =	sld [smem:$0x3FFE];
	[sflag:s23] =	ssyncadd.s32 $0xFFFFFFFF  }
0xa5: {  	s26 =	simm.s32 $execute0_lowered;
	[smem:$0x3FD2] =	sst s25  }
0xa6: {  	s4 =	sshll.u32 s26, $0x1;
	_ =	strace $0x80000046;
	[dreg:$0x1] =	wrdreg $0xFFFFFFFF  }
0xa7: {  	s28 =	simm.s32 $_size_execute0_lowered;
	s2 =	sadd.s32 s2, s4;
	[dreg:$0x0] =	wrdreg $0x0  }
0xa8: {  	s4 =	sshll.u32 s28, $0x1;
	[dreg:$0x2] =	wrdreg s2  }
0xa9: {  	[dreg:$0x3] =	wrdreg s4  }
0xaa: {  	[dreg:$0x4] =	wrdreg $0xC0  }
0xab: {  	_ =	task [dreg:s6], $0x5FFFF  }
0xac: {  	[dreg:$0x1] =	wrdreg $0xFFFFFFFF  }
0xad: {  	[dreg:$0x0] =	wrdreg $0x60  }
0xae: {  	[dreg:$0x2] =	wrdreg s24  }
0xaf: {  	[dreg:$0x3] =	wrdreg $0x89E00  }
0xb0: {  	[dreg:$0x4] =	wrdreg $0x9  }
0xb1: {  	_ =	task.clear_ibuf [dreg:s6], $0x5FFFF;
	_ =	strace $0x90000046  }
0xb2: {  	s29 =	simm.s32 $0x9;
	_ =	strace $0x80000048  }
0xb3: {  	_ =	swait.ge [sflag:s29], $0x1  }
0xb4: {  	[sflag:s29] =	ssyncadd.s32 $0xFFFFFFFF  }
0xb5: {  	_ =	strace $0x90000048  }
0xb6: {  	_ =	sfence  }
0xb7: {  	s30 =	sld [smem:$0x0];
	_ =	sdelay $0x2  }
0xb8: {  	s31 =	sshll.u32 s1, $0xD;
	s1 =	sshrl.u32 s1, $0x2  }
0xb9: {  	s3 =	sand.u32 $0x4000, s31;
	s1 =	sadd.s32 s1, s30  }
0xba: {  	s0 =	sor.u32 s3, s0;
	s1 =	sshll.u32 s1, $0x11  }
0xbb: {  	s0 =	sor.u32 s1, s0  }
0xbc: {  	s0 =	sadd.s32 $0x8F2B, s0  }
0xbd: {  	[sflag:s0] =	ssyncadd.remote.s32 $0x1  }
0xbe: {  	_ =	sfence.sel $0xFFFF  }
0xbf: {  	[dreg:$0x0] =	wrdreg $0xFFFFFFFF;
	(pc) =	sbr.abs _section_cstart, $3  }
0xc0: {  	[dreg:$0x1] =	wrdreg $0xFFFFFFFF  }
0xc1: {  	_ =	task.clear_ibuf [dreg:s6], $0x2FFFF;
	_ =	strace $0x9FFFFFFF  }
0xc2: {  	(tm) =	ssettm $0x7FFFFFFF  }
0xc3: {  	_ =	shalt  }
tec
execute0_lowered:
.L_overlay_start_1:
0x0: {  	(tag) =	ssettag $0x1  }
0x1: {  	s0 =	srdreg.scid;
	s5 =	rddreg [dreg:$0x0]  }
0x2: {  	s2 =	rddreg [dreg:$0x1];
	s26 =	stileid.u32;
	s3 =	simm.s32 $0x0  }
0x3: {  	s16 =	simm.s32 $0x3;
	s18 =	simm.s32 $0x7620;
	s19 =	simm.s32 $0x50  }
0x4: {  	s20 =	simm.s32 $0x4E20;
	s21 =	simm.s32 $0x6220;
	s22 =	simm.s32 $0x1  }
0x5: {  	s28 =	simm.s32 $0x4DD0;
	s29 =	simm.s32 $0x0;
	s9 =	smul.u32 $0x27800, s26  }
0x6: {  	s6 =	sand.u32 $0x1, s0;
	[smem:$0x7FF] =	sst s3;
	s11 =	smul.u32 $0x9E00, s26  }
0x7: {  	s4 =	sshll.u32 s6, $0x4;
	s8 =	smul.u32 $0x13C00, s6;
	s6 =	ssub.s32 $0x2, s6  }
0x8: {  	_ =	strace $0x80000047;
	s4 =	sor.u32 s26, s4;
	s30 =	sshrl.u32 s6, $0x1  }
0x9: {  	s31 =	sshrl.u32 s9, $0x2;
	s24 =	sshrl.u32 s11, $0x3;
	s25 =	sadd.s32 s11, s2  }
0xa: {  	s26 =	simm.s32 $0x2;
	s7 =	smul.u32 $0x4E2, s4;
	s4 =	sadd.s32 $0x4400, s5  }
0xb: {  	s8 =	sadd.s32 s8, s5;
	s10 =	ssub.s32 s6, s30;
	s25 =	sshrl.u32 s25, $0x3  }
0xc: {  	s23 =	sadd.s32 $0x2BA00, s8;
	s8 =	smax.u32 s10, $0x1;
	s7 =	sadd.s32 s7, s5  }
0xd: {  	s5 =	sadd.s32 $0x21C00, s7;
	s6 =	sadd.s32 $0x17E00, s7;
	s7 =	sadd.s32 s31, s2  }
0xe: {  	s23 =	sadd.s32 s24, s23;
	s24 =	simm.s32 $0x4;
	s9 =	sadd.s32 $0x13C0, s7  }
0xf: {  	s10 =	sadd.s32 $0x2780, s7;
	s11 =	sadd.s32 $0x3B40, s7;
	s12 =	sadd.s32 $0x4F00, s7  }
0x10: {  	v0 =	vimm.f32 $0.0e+00;
	s13 =	sadd.s32 $0x62C0, s7;
	s14 =	sadd.s32 $0x7680, s7;
	s15 =	sadd.s32 $0x8A40, s7  }
.LBB2_1:
0x11: {  	[tilespmem:s3], [sflag:$0x3] =	stream.linear.gather [hbm4b:s5+s3], $0x2710, $0x38;
	[tilespmem:$0x127E0] =	vst v63  }
0x12: {  	_ =	swait.ge [sflag:s16], $0x2710  }
0x13: {  	[sflag:s16] =	ssyncset.done $0x0  }
0x14: {  	s0 =	simm.s32 $0x2710;
	[sflag:s16] =	ssyncadd.s32 $0xFFFFD8F0  }
0x15: {  	[tilespmem:s0], [sflag:$0x3] =	stream.linear.gather [hbm4b:s6+s3], $0x2710, $0x38;
	[tilespmem:$0x127E0] =	vst v63  }
0x16: {  	_ =	swait.ge [sflag:s16], $0x2710  }
0x17: {  	[sflag:s16] =	ssyncset.done $0x0  }
0x18: {  	s31 =	simm.s32 $0x100;
	s30 =	simm.s32 $0x0;
	[sflag:s16] =	ssyncadd.s32 $0xFFFFD8F0  }
.LBB2_2:
0x19: {  	p0 =	sne.s32 s31, $0x4E00;
	[tilespmem:s30+$0x7650] =	vst v0;
	s0 =	smov.u32 s31;
	s31 =	sadd.s32 $0x100, s31  }
.Ltmp0:
0x1a: {  	[tilespmem:s30+$0x7640] =	vst v0;
	(pc) =	sbr.rel @p0 .LBB2_2-.Ltmp0, $3  }
0x1b: {  	[tilespmem:s30+$0x7620] =	vst v0  }
0x1c: {  	[tilespmem:s30+$0x7630] =	vst v0;
	_ =	sdelay $0x1  }
0x1d: {  	s30 =	sshra.s32 s0, $0x2  }
0x1e: {  	[tilespmem:s30+$0x7650] =	vst v0  }
0x1f: {  	[tilespmem:s30+$0x7640] =	vst v0  }
0x20: {  	[tilespmem:s30+$0x7620] =	vst v0  }
0x21: {  	[tilespmem:s30+$0x7630] =	vst v0  }
0x22: {  	[spmem:s7] =	stream.linear.scatter [tilespmem:s18], [sflag:$0x3], $0x13C0, $0x38;
	[tilespmem:$0x127E0] =	vst v63  }
0x23: {  	_ =	swait.ge [sflag:s16], $0x13C0  }
0x24: {  	[sflag:s16] =	ssyncset.done $0x0  }
0x25: {  	[sflag:s16] =	ssyncadd.s32 $0xFFFFEC40  }
0x26: {  	[spmem:s9] =	stream.linear.scatter [tilespmem:s18], [sflag:$0x3], $0x13C0, $0x38;
	[tilespmem:$0x127E0] =	vst v63  }
0x27: {  	_ =	swait.ge [sflag:s16], $0x13C0  }
0x28: {  	[sflag:s16] =	ssyncset.done $0x0  }
0x29: {  	[sflag:s16] =	ssyncadd.s32 $0xFFFFEC40  }
0x2a: {  	[spmem:s10] =	stream.linear.scatter [tilespmem:s18], [sflag:$0x3], $0x13C0, $0x38;
	[tilespmem:$0x127E0] =	vst v63  }
0x2b: {  	_ =	swait.ge [sflag:s16], $0x13C0  }
0x2c: {  	[sflag:s16] =	ssyncset.done $0x0  }
0x2d: {  	[sflag:s16] =	ssyncadd.s32 $0xFFFFEC40  }
0x2e: {  	[spmem:s11] =	stream.linear.scatter [tilespmem:s18], [sflag:$0x3], $0x13C0, $0x38;
	[tilespmem:$0x127E0] =	vst v63  }
0x2f: {  	_ =	swait.ge [sflag:s16], $0x13C0  }
0x30: {  	[sflag:s16] =	ssyncset.done $0x0  }
0x31: {  	[sflag:s16] =	ssyncadd.s32 $0xFFFFEC40  }
0x32: {  	[spmem:s12] =	stream.linear.scatter [tilespmem:s18], [sflag:$0x3], $0x13C0, $0x38;
	[tilespmem:$0x127E0] =	vst v63  }
0x33: {  	_ =	swait.ge [sflag:s16], $0x13C0  }
0x34: {  	[sflag:s16] =	ssyncset.done $0x0  }
0x35: {  	[sflag:s16] =	ssyncadd.s32 $0xFFFFEC40  }
0x36: {  	[spmem:s13] =	stream.linear.scatter [tilespmem:s18], [sflag:$0x3], $0x13C0, $0x38;
	[tilespmem:$0x127E0] =	vst v63  }
0x37: {  	_ =	swait.ge [sflag:s16], $0x13C0  }
0x38: {  	[sflag:s16] =	ssyncset.done $0x0  }
0x39: {  	[sflag:s16] =	ssyncadd.s32 $0xFFFFEC40  }
0x3a: {  	[spmem:s14] =	stream.linear.scatter [tilespmem:s18], [sflag:$0x3], $0x13C0, $0x38;
	[tilespmem:$0x127E0] =	vst v63  }
0x3b: {  	_ =	swait.ge [sflag:s16], $0x13C0  }
0x3c: {  	[sflag:s16] =	ssyncset.done $0x0  }
0x3d: {  	[sflag:s16] =	ssyncadd.s32 $0xFFFFEC40  }
0x3e: {  	[spmem:s15] =	stream.linear.scatter [tilespmem:s18], [sflag:$0x3], $0x13C0, $0x38;
	[tilespmem:$0x127E0] =	vst v63  }
0x3f: {  	_ =	swait.ge [sflag:s16], $0x13C0  }
0x40: {  	[sflag:s16] =	ssyncset.done $0x0  }
0x41: {  	[sflag:s16] =	ssyncadd.s32 $0xFFFFEC40  }
0x42: {  	s0 =	simm.s32 $0x0;
	[bflag:$0x0] =	sbarrier.arrive $0xFFFF  }
0x43: {  	[tilespmem:s20], [sflag:$0x1] =	stream.indirect.gather [hbm4b:s4+s19], $0x40, s0, s19, $0xb8;
	[tilespmem:$0x127E0] =	vst v63  }
0x44: {  	s1 =	simm.s32 $0x50  }
0x45: {  	[tilespmem:s21], [sflag:$0x2] =	stream.indirect.gather [hbm4b:s4+s19], $0x40, s1, s19, $0xb8;
	[tilespmem:$0x127E0] =	vst v63  }
0x46: {  	_ =	swait.ge [sflag:s22], $0x1400  }
0x47: {  	[sflag:s22] =	ssyncset.done $0x0  }
0x48: {  	s17 =	simm.s32 $0x2710;
	[sflag:s22] =	ssyncadd.s32 $0xFFFFEC00  }
0x49: {  	[spmem:s2] =	stream.indirect.scatter.add.f32 [tilespmem:s20], [sflag:$0x4], $0x40, s17, s19, $0xb8;
	[tilespmem:$0x127E0] =	vst v63  }
0x4a: {  	_ =	swait.ge [sflag:s24], $0x1400  }
0x4b: {  	[sflag:s24] =	ssyncset.done $0x0  }
0x4c: {  	s1 =	simm.s32 $0xA0;
	[sflag:s24] =	ssyncadd.s32 $0xFFFFEC00  }
0x4d: {  	[tilespmem:s20], [sflag:$0x1] =	stream.indirect.gather [hbm4b:s4+s19], $0x40, s1, s19, $0xb8;
	[tilespmem:$0x127E0] =	vst v63  }
0x4e: {  	_ =	swait.ge [sflag:s26], $0x1400  }
0x4f: {  	[sflag:s26] =	ssyncset.done $0x0  }
0x50: {  	s17 =	simm.s32 $0x2760;
	[sflag:s26] =	ssyncadd.s32 $0xFFFFEC00  }
0x51: {  	[spmem:s2] =	stream.indirect.scatter.add.f32 [tilespmem:s21], [sflag:$0x3], $0x40, s17, s19, $0xb8;
	[tilespmem:$0x127E0] =	vst v63  }
0x52: {  	_ =	swait.ge [sflag:s16], $0x1400  }
0x53: {  	s31 =	simm.s32 $0x500;
	s30 =	simm.s32 $0xA0;
	[sflag:s16] =	ssyncset.done $0x0  }
.LBB2_4:
0x54: {  	s0 =	sadd.s32 $0x50, s30  }
0x55: {  	[sflag:s16] =	ssyncadd.s32 $0xFFFFEC00;
	s1 =	smov.u32 s31;
	s17 =	sadd.s32 $0x280, s31  }
0x56: {  	[tilespmem:s21], [sflag:$0x2] =	stream.indirect.gather [hbm4b:s4+s19], $0x40, s0, s19, $0xb8;
	[tilespmem:$0x127E0] =	vst v63  }
0x57: {  	p0 =	sne.s32 s31, $0x9880;
	_ =	swait.ge [sflag:s22], $0x1400  }
0x58: {  	[sflag:s22] =	ssyncset.done $0x0  }
0x59: {  	s0 =	sadd.s32 $0x2710, s30;
	[sflag:s22] =	ssyncadd.s32 $0xFFFFEC00  }
0x5a: {  	[spmem:s2] =	stream.indirect.scatter.add.f32 [tilespmem:s20], [sflag:$0x4], $0x40, s0, s19, $0xb8;
	[tilespmem:$0x127E0] =	vst v63  }
0x5b: {  	_ =	swait.ge [sflag:s24], $0x1400  }
0x5c: {  	[sflag:s24] =	ssyncset.done $0x0  }
0x5d: {  	s0 =	sadd.s32 $0xA0, s30;
	[sflag:s24] =	ssyncadd.s32 $0xFFFFEC00  }
0x5e: {  	[tilespmem:s20], [sflag:$0x1] =	stream.indirect.gather [hbm4b:s4+s19], $0x40, s0, s19, $0xb8;
	[tilespmem:$0x127E0] =	vst v63  }
0x5f: {  	_ =	swait.ge [sflag:s26], $0x1400  }
.Ltmp1:
0x60: {  	[sflag:s26] =	ssyncset.done $0x0;
	(pc) =	sbr.rel @p0 .LBB2_4-.Ltmp1, $4  }
0x61: {  	s0 =	sadd.s32 $0x2760, s30;
	[sflag:s26] =	ssyncadd.s32 $0xFFFFEC00  }
0x62: {  	[spmem:s2] =	stream.indirect.scatter.add.f32 [tilespmem:s21], [sflag:$0x3], $0x40, s0, s19, $0xb8;
	[tilespmem:$0x127E0] =	vst v63  }
0x63: {  	_ =	swait.ge [sflag:s16], $0x1400  }
0x64: {  	s31 =	smov.u32 s17;
	s30 =	sshra.s32 s1, $0x2;
	[sflag:s16] =	ssyncset.done $0x0  }
0x65: {  	s0 =	sadd.s32 $0x50, s30;
	[sflag:s16] =	ssyncadd.s32 $0xFFFFEC00  }
0x66: {  	[tilespmem:s21], [sflag:$0x2] =	stream.indirect.gather [hbm4b:s4+s19], $0x40, s0, s19, $0xb8;
	[tilespmem:$0x127E0] =	vst v63  }
0x67: {  	_ =	swait.ge [sflag:s22], $0x1400  }
0x68: {  	[sflag:s22] =	ssyncset.done $0x0  }
0x69: {  	s1 =	sadd.s32 $0x2710, s30;
	[sflag:s22] =	ssyncadd.s32 $0xFFFFEC00  }
0x6a: {  	[spmem:s2] =	stream.indirect.scatter.add.f32 [tilespmem:s20], [sflag:$0x4], $0x40, s1, s19, $0xb8;
	[tilespmem:$0x127E0] =	vst v63  }
0x6b: {  	_ =	swait.ge [sflag:s24], $0x1400  }
0x6c: {  	[sflag:s24] =	ssyncset.done $0x0  }
0x6d: {  	s17 =	sadd.s32 $0xA0, s30;
	[sflag:s24] =	ssyncadd.s32 $0xFFFFEC00  }
0x6e: {  	[tilespmem:s20], [sflag:$0x1] =	stream.indirect.gather [hbm4b:s4+s19], $0x40, s17, s19, $0xb8;
	[tilespmem:$0x127E0] =	vst v63  }
0x6f: {  	_ =	swait.ge [sflag:s26], $0x1400  }
0x70: {  	[sflag:s26] =	ssyncset.done $0x0  }
0x71: {  	s30 =	sadd.s32 $0x2760, s30;
	[sflag:s26] =	ssyncadd.s32 $0xFFFFEC00  }
0x72: {  	[spmem:s2] =	stream.indirect.scatter.add.f32 [tilespmem:s21], [sflag:$0x3], $0x40, s30, s19, $0xb8;
	[tilespmem:$0x127E0] =	vst v63  }
0x73: {  	_ =	swait.ge [sflag:s16], $0x1400  }
0x74: {  	[sflag:s16] =	ssyncset.done $0x0  }
0x75: {  	[sflag:s16] =	ssyncadd.s32 $0xFFFFEC00  }
0x76: {  	_ =	swait.ge [sflag:s22], $0x1400  }
0x77: {  	[sflag:s22] =	ssyncset.done $0x0  }
0x78: {  	[sflag:s22] =	ssyncadd.s32 $0xFFFFEC00  }
0x79: {  	[spmem:s2] =	stream.indirect.scatter.add.f32 [tilespmem:s20], [sflag:$0x4], $0x40, s28, s19, $0xb8;
	[tilespmem:$0x127E0] =	vst v63  }
0x7a: {  	_ =	swait.ge [sflag:s24], $0x1400  }
0x7b: {  	s31 =	stileid.u32;
	s29 =	sadd.s32 $0x1, s29;
	[sflag:s24] =	ssyncset.done $0x0  }
0x7c: {  	s0 =	sshll.u32 s31, $0x6;
	p0 =	sne.s32 s29, s8;
	[sflag:s24] =	ssyncadd.s32 $0xFFFFEC00  }
.Ltmp2:
0x7d: {  	s0 =	sor.u32 $0x1C03, s0;
	[bflag:$0x0] =	sbarrier.arrive $0xFFFF;
	(pc) =	sbr.rel @p0 .LBB2_1-.Ltmp2, $4  }
0x7e: {  	[hbm:s23], [sflag:s0] =	dma.local [spmem:s25], $0x13C0  }
0x7f: {  	_ =	swait.ge [sflag:s16], $0x13C0  }
0x80: {  	[sflag:s16] =	ssyncset.done $0x0  }
0x81: {  	[sflag:s16] =	ssyncadd.s32 $0xFFFFEC40  }
0x82: {  	_ =	sfence.sel $0x180000  }
0x83: {  	[bflag:$0x0] =	sbarrier.arrive $0xFFFF  }
0x84: {  	_ =	strace $0x90000047  }
0x85: {  	s0 =	stileid.u32;
	[bflag:$0x2] =	sbarrier.arrive $0xFFFF  }
0x86: {  	p0 =	sne.s32 s0, $0x0;
	s0 =	rddreg [dreg:$0x2]  }
0x87: {  	s0 =	sadd.s32 @!p0 $0x100000, s0  }
0x88: {  	[sflag:s0] =	ssyncadd.tile.s32 @!p0 $0x1;
	_ =	shalt  }
.Lfunc_end2:
_tile_overlayer_lowered:
.L_overlay_start_2:
0x89: {  	(tag) =	ssettag $0x2  }
0x8a: {  	s0 =	rddreg [dreg:$0x0];
	s2 =	stileid.u32  }
0x8b: {  	s1 =	rddreg [dreg:$0x1];
	p0 =	sne.s32 s2, $0x0  }
0x8c: {  	s3 =	rddreg [dreg:$0x2];
	[bflag:$0x3] =	sbarrier.arrive $0xFFFF;
	s2 =	simm.s32 @!p0 $0x1C03  }
0x8d: {  	[timem:s3], [sflag:s2] =	dma.local @!p0 [hbm:s0], s1  }
0x8e: {  	s0 =	simm.s32 @!p0 $0x3  }
0x8f: {  	_ =	swait.ge @!p0 [sflag:s0], s1  }
0x90: {  	s1 =	ssub.s32 @!p0 $0x0, s1;
	[sflag:s0] =	ssyncset.done @!p0 $0x0  }
0x91: {  	[sflag:s0] =	ssyncadd.s32 @!p0 s1  }
0x92: {  	[bflag:$0x3] =	sbarrier.arrive $0xFFFF  }
0x93: {  	_ =	shalt  }

// kernel: kernel.13.cloned.1.call-start
scs
__scs_entry_jumppad:
0x0: {  	(pc) =	sbr.rel $0x88, $3  }
0x1: {  	(tag) =	ssettag $0x0;
	lr =	simm.s32 $0x1  }
0x2: {  	[smem:$0x3F81] =	sst lr;
	_ =	strace $0xD0000000  }
0x3: {  	_ = 	snop  }
0x4: {  	_ = 	snop  }
0x5: {  	_ = 	snop  }
0x6: {  	_ = 	snop  }
0x7: {  	_ = 	snop  }
__scs_overlays_trampoline_lowered:
0x8: {  	[smem:$0x3F90] =	sst s0  }
0x9: {  	[smem:$0x3F91] =	sst s1  }
0xa: {  	[smem:$0x3F92] =	sst s2  }
0xb: {  	[smem:$0x3F93] =	sst s3  }
0xc: {  	[smem:$0x3F94] =	sst s4  }
0xd: {  	[smem:$0x3F95] =	sst s5  }
0xe: {  	[smem:$0x3F96] =	sst s6  }
0xf: {  	[smem:$0x3F97] =	sst s7  }
0x10: {  	[smem:$0x3F98] =	sst s8  }
0x11: {  	[smem:$0x3F99] =	sst s9;
	s0 =	simm.s32 @!p0 $0x0  }
0x12: {  	s1 =	sld [smem:$0x3F7F];
	s0 =	simm.s32 @p0 $0x1  }
0x13: {  	[smem:$0x3F9A] =	sst s0;
	s0 =	simm.s32 @!p1 $0x0  }
0x14: {  	s2 =	sld [smem:$0x3F7E];
	s0 =	simm.s32 @p1 $0x1  }
0x15: {  	[smem:$0x3F9B] =	sst s0;
	s0 =	simm.s32 @!p2 $0x0  }
0x16: {  	s3 =	sld [smem:$0x3FDB];
	s0 =	simm.s32 @p2 $0x1  }
0x17: {  	s4 =	simm.s32 $0x1BF5;
	[smem:$0x3F9D] =	sst s0  }
0x18: {  	s0 =	sld [smem:$0x3F80];
	_ =	swait.ge [sflag:s4], $0x0  }
0x19: {  	s7 =	sld [smem:$0x3F81]  }
0x1a: {  	s8 =	sadd.s32 $0xFFFFE003, lr  }
0x1b: {  	s9 =	sadd.s32 $0xFFFFFEF7, lr;
	s5 =	simm.s32 $0xFFFFFFFF;
	p2 =	slt.u32 s8, $0xFFFFF086  }
0x1c: {  	p1 =	slt.u32 s9, $0xF7A;
	s5 =	simm.s32 @!p2 $0x0  }
0x1d: {  	s5 =	simm.s32 @p1 $0x1;
	p0 =	seq.s32 s7, s2  }
0x1e: {  	s7 =	smul.u32 @!p0 $0xF7A, s2;
	p2 =	seq.s32 @!p0 s5, $0x0  }
0x1f: {  	s9 =	smul.u32 $0xF7A, s1;
	s8 =	simm.s32 @!p0 $0x1BF5;
	p2 =	por !p2, p0  }
0x20: {  	[sflag:s8] =	ssyncset.s32 @!p0 $0xFFFFF086;
	s6 =	sadd.s32 @!p0 s3, s7;
	s7 =	simm.s32 @!p0 $0x108  }
0x21: {  	s3 =	sadd.s32 s3, s9;
	s6 =	sadd.s32 @!p0 $0x88, s6;
	s7 =	simm.s32 @p2 $0x1082  }
0x22: {  	[simem:s7], [sflag:s8] =	dma.local @!p0 [hbm:s6], $0xF7A  }
0x23: {  	s9 =	sor.u32 $0xD0000000, s2;
	s6 =	simm.s32 $0x108;
	_ =	swait.ge @!p0 [sflag:s8], $0x0  }
0x24: {  	s3 =	sadd.s32 $0x88, s3;
	s6 =	simm.s32 @!p1 $0x1082;
	[sflag:s4] =	ssyncset.s32 $0xFFFFF086  }
0x25: {  	[simem:s6], [sflag:s4] =	dma.local [hbm:s3], $0xF7A  }
0x26: {  	[smem:$0x3F81] =	sst s1;
	(tag) =	ssettag s2;
	_ =	strace s9  }
0x27: {  	s1 =	sld [smem:$0x3F91]  }
0x28: {  	s2 =	sld [smem:$0x3F92]  }
0x29: {  	s4 =	sld [smem:$0x3F94]  }
0x2a: {  	p0 =	seq.s32 s5, $0x0;
	s5 =	sld [smem:$0x3F95]  }
0x2b: {  	s6 =	sld [smem:$0x3F96]  }
0x2c: {  	s7 =	sld [smem:$0x3F97]  }
0x2d: {  	s3 =	simm.s32 $0x108;
	s8 =	sld [smem:$0x3F98]  }
0x2e: {  	s3 =	simm.s32 @!p0 $0x1082;
	s9 =	sld [smem:$0x3F99]  }
0x2f: {  	lr =	sadd.s32 s0, s3;
	s0 =	sld [smem:$0x3F90]  }
0x30: {  	s3 =	sld [smem:$0x3F93]  }
0x31: {  	[smem:$0x3F9C] =	sst s10  }
0x32: {  	s10 =	sld [smem:$0x3F9A];
	_ =	sdelay $0x3  }
0x33: {  	p0 =	seq.s32 s10, $0x1;
	s10 =	sld [smem:$0x3F9C];
	_ =	sdelay $0x3  }
0x34: {  	[smem:$0x3F9C] =	sst s10  }
0x35: {  	s10 =	sld [smem:$0x3F9B];
	_ =	sdelay $0x3  }
0x36: {  	p1 =	seq.s32 s10, $0x1;
	s10 =	sld [smem:$0x3F9C];
	_ =	sdelay $0x3  }
0x37: {  	[smem:$0x3F9C] =	sst s10  }
0x38: {  	s10 =	sld [smem:$0x3F9D]  }
0x39: {  	_ = 	snop;
	(pc) =	sbr.ind lr, $3  }
0x3a: {  	_ = 	snop  }
0x3b: {  	_ = 	snop  }
0x3c: {  	p2 =	seq.s32 s10, $0x1;
	s10 =	sld [smem:$0x3F9C]  }
0x3d: {  	_ =	shalt  }
0x3e: {  	_ =	shalt  }
0x3f: {  	_ =	shalt  }
0x40: {  	_ =	shalt  }
0x41: {  	_ =	shalt  }
0x42: {  	_ =	shalt  }
0x43: {  	_ =	shalt  }
0x44: {  	_ =	shalt  }
0x45: {  	_ =	shalt  }
0x46: {  	_ =	shalt  }
0x47: {  	_ =	shalt  }
0x48: {  	_ =	shalt  }
0x49: {  	_ =	shalt  }
0x4a: {  	_ =	shalt  }
0x4b: {  	_ =	shalt  }
0x4c: {  	_ =	shalt  }
0x4d: {  	_ =	shalt  }
0x4e: {  	_ =	shalt  }
0x4f: {  	_ =	shalt  }
0x50: {  	_ =	shalt  }
0x51: {  	_ =	shalt  }
0x52: {  	_ =	shalt  }
0x53: {  	_ =	shalt  }
0x54: {  	_ =	shalt  }
0x55: {  	_ =	shalt  }
0x56: {  	_ =	shalt  }
0x57: {  	_ =	shalt  }
0x58: {  	_ =	shalt  }
0x59: {  	_ =	shalt  }
0x5a: {  	_ =	shalt  }
0x5b: {  	_ =	shalt  }
0x5c: {  	_ =	shalt  }
0x5d: {  	_ =	shalt  }
0x5e: {  	_ =	shalt  }
0x5f: {  	_ =	shalt  }
0x60: {  	_ =	shalt  }
0x61: {  	_ =	shalt  }
0x62: {  	_ =	shalt  }
0x63: {  	_ =	shalt  }
0x64: {  	_ =	shalt  }
0x65: {  	_ =	shalt  }
0x66: {  	_ =	shalt  }
0x67: {  	_ =	shalt  }
0x68: {  	_ =	shalt  }
0x69: {  	_ =	shalt  }
0x6a: {  	_ =	shalt  }
0x6b: {  	_ =	shalt  }
0x6c: {  	_ =	shalt  }
0x6d: {  	_ =	shalt  }
0x6e: {  	_ =	shalt  }
0x6f: {  	_ =	shalt  }
0x70: {  	_ =	shalt  }
0x71: {  	_ =	shalt  }
0x72: {  	_ =	shalt  }
0x73: {  	_ =	shalt  }
0x74: {  	_ =	shalt  }
0x75: {  	_ =	shalt  }
0x76: {  	_ =	shalt  }
0x77: {  	_ =	shalt  }
0x78: {  	_ =	shalt  }
0x79: {  	_ =	shalt  }
0x7a: {  	_ =	shalt  }
0x7b: {  	_ =	shalt  }
0x7c: {  	_ =	shalt  }
0x7d: {  	_ =	shalt  }
0x7e: {  	_ =	shalt  }
0x7f: {  	_ =	shalt  }
0x80: {  	_ =	shalt  }
0x81: {  	_ =	shalt  }
0x82: {  	_ =	shalt  }
0x83: {  	_ =	shalt  }
0x84: {  	_ =	shalt  }
0x85: {  	_ =	shalt  }
0x86: {  	_ =	shalt  }
0x87: {  	_ =	shalt  }
.Lfunc_end0:
.L_simem_size_0:
called_computation.1_lowered:
.L_overlay_start_0:
0x88: {  	s2 =	sld [smem:$0x3FD9]  }
0x89: {  	s3 =	sld [smem:$0x3FFE];
	_ =	sdelay $0x1  }
0x8a: {  	s1 =	srdreg.scid  }
0x8b: {  	s0 =	sand.u32 $0x1, s1  }
0x8c: {  	s16 =	sshll.u32 s0, $0xA;
	s2 =	sadd.s32 s3, s2  }
0x8d: {  	s2 =	sadd.s32 s2, s16  }
0x8e: {  	[smem:$0x3FA8] =	sst s2  }
0x8f: {  	_ = 	snop  }
0x90: {  	(tm) =	ssettm $0x1  }
0x91: {  	s17 =	sld [smem:$0x3FFB];
	_ =	sdelay $0x3  }
0x92: {  	_ =	strace s17  }
0x93: {  	s2 =	sld [smem:$0x3FFC];
	_ =	sdelay $0x3  }
0x94: {  	_ =	strace s2  }
0x95: {  	s2 =	sld [smem:$0x3FFD];
	_ =	sdelay $0x3  }
0x96: {  	_ =	strace s2  }
0x97: {  	_ =	strace $0x8FFFFFFF  }
0x98: {  	s18 =	sld [smem:$0x3FDB];
	_ =	sdelay $0x1  }
0x99: {  	s19 =	simm.s32 $_scs_section_size  }
0x9a: {  	s4 =	simm.s32 $_size__tile_overlayer_lowered;
	s5 =	simm.s32 $_tile_overlayer_lowered  }
0x9b: {  	s22 =	simm.s32 $0x1BFF;
	s21 =	sshll.u32 s5, $0x1;
	s2 =	sadd.s32 s19, s18  }
0x9c: {  	s6 =	simm.s32 $0x0;
	s20 =	sshll.u32 s4, $0x1;
	s4 =	sadd.s32 s21, s2  }
0x9d: {  	[timem:s6], [sflag:s22] =	dma.local [hbm:s4], s20  }
0x9e: {  	_ =	swait.ge [sflag:s22], s20  }
0x9f: {  	s3 =	ssub.s32 $0x0, s20;
	[sflag:s22] =	ssyncset.done $0x0  }
0xa0: {  	[sflag:s22] =	ssyncadd.s32 s3;
	_ =	sdelay $0x1  }
0xa1: {  	s23 =	simm.s32 $0x1B8B  }
0xa2: {  	_ =	swait.ge [sflag:s23], $0x1  }
0xa3: {  	[sflag:s23] =	ssyncset.done $0x0  }
0xa4: {  	s25 =	simm.s32 $0x1B8E;
	s24 =	sld [smem:$0x3FFE];
	[sflag:s23] =	ssyncadd.s32 $0xFFFFFFFF  }
0xa5: {  	s26 =	simm.s32 $execute0_lowered;
	[smem:$0x3FD2] =	sst s25  }
0xa6: {  	s4 =	sshll.u32 s26, $0x1;
	_ =	strace $0x80000049;
	[dreg:$0x1] =	wrdreg $0xFFFFFFFF  }
0xa7: {  	s28 =	simm.s32 $_size_execute0_lowered;
	s2 =	sadd.s32 s2, s4;
	[dreg:$0x0] =	wrdreg $0x0  }
0xa8: {  	s4 =	sshll.u32 s28, $0x1;
	[dreg:$0x2] =	wrdreg s2  }
0xa9: {  	[dreg:$0x3] =	wrdreg s4  }
0xaa: {  	[dreg:$0x4] =	wrdreg $0xC0  }
0xab: {  	_ =	task [dreg:s6], $0x5FFFF  }
0xac: {  	[dreg:$0x1] =	wrdreg $0xFFFFFFFF  }
0xad: {  	[dreg:$0x0] =	wrdreg $0x60  }
0xae: {  	[dreg:$0x2] =	wrdreg s24  }
0xaf: {  	[dreg:$0x3] =	wrdreg $0x89E00  }
0xb0: {  	[dreg:$0x4] =	wrdreg $0x9  }
0xb1: {  	_ =	task.clear_ibuf [dreg:s6], $0x5FFFF;
	_ =	strace $0x90000049  }
0xb2: {  	s29 =	simm.s32 $0x9;
	_ =	strace $0x8000004B  }
0xb3: {  	_ =	swait.ge [sflag:s29], $0x1  }
0xb4: {  	[sflag:s29] =	ssyncadd.s32 $0xFFFFFFFF  }
0xb5: {  	_ =	strace $0x9000004B  }
0xb6: {  	_ =	sfence  }
0xb7: {  	s30 =	sld [smem:$0x0];
	_ =	sdelay $0x2  }
0xb8: {  	s31 =	sshll.u32 s1, $0xD;
	s1 =	sshrl.u32 s1, $0x2  }
0xb9: {  	s3 =	sand.u32 $0x4000, s31;
	s1 =	sadd.s32 s1, s30  }
0xba: {  	s0 =	sor.u32 s3, s0;
	s1 =	sshll.u32 s1, $0x11  }
0xbb: {  	s0 =	sor.u32 s1, s0  }
0xbc: {  	s0 =	sadd.s32 $0x8F2B, s0  }
0xbd: {  	[sflag:s0] =	ssyncadd.remote.s32 $0x1  }
0xbe: {  	_ =	sfence.sel $0xFFFF  }
0xbf: {  	[dreg:$0x0] =	wrdreg $0xFFFFFFFF;
	(pc) =	sbr.abs _section_cstart, $3  }
0xc0: {  	[dreg:$0x1] =	wrdreg $0xFFFFFFFF  }
0xc1: {  	_ =	task.clear_ibuf [dreg:s6], $0x2FFFF;
	_ =	strace $0x9FFFFFFF  }
0xc2: {  	(tm) =	ssettm $0x7FFFFFFF  }
0xc3: {  	_ =	shalt  }
tec
execute0_lowered:
.L_overlay_start_1:
0x0: {  	(tag) =	ssettag $0x1  }
0x1: {  	s0 =	srdreg.scid;
	s5 =	rddreg [dreg:$0x0]  }
0x2: {  	s2 =	rddreg [dreg:$0x1];
	s26 =	stileid.u32;
	s3 =	simm.s32 $0x0  }
0x3: {  	s16 =	simm.s32 $0x3;
	s18 =	simm.s32 $0x7620;
	s19 =	simm.s32 $0x50  }
0x4: {  	s20 =	simm.s32 $0x4E20;
	s21 =	simm.s32 $0x6220;
	s22 =	simm.s32 $0x1  }
0x5: {  	s28 =	simm.s32 $0x4DD0;
	s29 =	simm.s32 $0x0;
	s9 =	smul.u32 $0x27800, s26  }
0x6: {  	s6 =	sand.u32 $0x1, s0;
	[smem:$0x7FF] =	sst s3;
	s11 =	smul.u32 $0x9E00, s26  }
0x7: {  	s4 =	sshll.u32 s6, $0x4;
	s8 =	smul.u32 $0x13C00, s6;
	s6 =	ssub.s32 $0x2, s6  }
0x8: {  	_ =	strace $0x8000004A;
	s4 =	sor.u32 s26, s4;
	s30 =	sshrl.u32 s6, $0x1  }
0x9: {  	s31 =	sshrl.u32 s9, $0x2;
	s24 =	sshrl.u32 s11, $0x3;
	s25 =	sadd.s32 s11, s2  }
0xa: {  	s26 =	simm.s32 $0x2;
	s7 =	smul.u32 $0x4E2, s4;
	s4 =	sadd.s32 $0x4400, s5  }
0xb: {  	s8 =	sadd.s32 s8, s5;
	s10 =	ssub.s32 s6, s30;
	s25 =	sshrl.u32 s25, $0x3  }
0xc: {  	s23 =	sadd.s32 $0x2BA00, s8;
	s8 =	smax.u32 s10, $0x1;
	s7 =	sadd.s32 s7, s5  }
0xd: {  	s5 =	sadd.s32 $0x21C00, s7;
	s6 =	sadd.s32 $0x17E00, s7;
	s7 =	sadd.s32 s31, s2  }
0xe: {  	s23 =	sadd.s32 s24, s23;
	s24 =	simm.s32 $0x4;
	s9 =	sadd.s32 $0x13C0, s7  }
0xf: {  	s10 =	sadd.s32 $0x2780, s7;
	s11 =	sadd.s32 $0x3B40, s7;
	s12 =	sadd.s32 $0x4F00, s7  }
0x10: {  	v0 =	vimm.f32 $0.0e+00;
	s13 =	sadd.s32 $0x62C0, s7;
	s14 =	sadd.s32 $0x7680, s7;
	s15 =	sadd.s32 $0x8A40, s7  }
.LBB2_1:
0x11: {  	[tilespmem:s3], [sflag:$0x3] =	stream.linear.gather [hbm4b:s5+s3], $0x2710, $0x38;
	[tilespmem:$0x127E0] =	vst v63  }
0x12: {  	_ =	swait.ge [sflag:s16], $0x2710  }
0x13: {  	[sflag:s16] =	ssyncset.done $0x0  }
0x14: {  	s0 =	simm.s32 $0x2710;
	[sflag:s16] =	ssyncadd.s32 $0xFFFFD8F0  }
0x15: {  	[tilespmem:s0], [sflag:$0x3] =	stream.linear.gather [hbm4b:s6+s3], $0x2710, $0x38;
	[tilespmem:$0x127E0] =	vst v63  }
0x16: {  	_ =	swait.ge [sflag:s16], $0x2710  }
0x17: {  	[sflag:s16] =	ssyncset.done $0x0  }
0x18: {  	s31 =	simm.s32 $0x100;
	s30 =	simm.s32 $0x0;
	[sflag:s16] =	ssyncadd.s32 $0xFFFFD8F0  }
.LBB2_2:
0x19: {  	p0 =	sne.s32 s31, $0x4E00;
	[tilespmem:s30+$0x7650] =	vst v0;
	s0 =	smov.u32 s31;
	s31 =	sadd.s32 $0x100, s31  }
.Ltmp0:
0x1a: {  	[tilespmem:s30+$0x7640] =	vst v0;
	(pc) =	sbr.rel @p0 .LBB2_2-.Ltmp0, $3  }
0x1b: {  	[tilespmem:s30+$0x7620] =	vst v0  }
0x1c: {  	[tilespmem:s30+$0x7630] =	vst v0;
	_ =	sdelay $0x1  }
0x1d: {  	s30 =	sshra.s32 s0, $0x2  }
0x1e: {  	[tilespmem:s30+$0x7650] =	vst v0  }
0x1f: {  	[tilespmem:s30+$0x7640] =	vst v0  }
0x20: {  	[tilespmem:s30+$0x7620] =	vst v0  }
0x21: {  	[tilespmem:s30+$0x7630] =	vst v0  }
0x22: {  	[spmem:s7] =	stream.linear.scatter [tilespmem:s18], [sflag:$0x3], $0x13C0, $0x38;
	[tilespmem:$0x127E0] =	vst v63  }
0x23: {  	_ =	swait.ge [sflag:s16], $0x13C0  }
0x24: {  	[sflag:s16] =	ssyncset.done $0x0  }
0x25: {  	[sflag:s16] =	ssyncadd.s32 $0xFFFFEC40  }
0x26: {  	[spmem:s9] =	stream.linear.scatter [tilespmem:s18], [sflag:$0x3], $0x13C0, $0x38;
	[tilespmem:$0x127E0] =	vst v63  }
0x27: {  	_ =	swait.ge [sflag:s16], $0x13C0  }
0x28: {  	[sflag:s16] =	ssyncset.done $0x0  }
0x29: {  	[sflag:s16] =	ssyncadd.s32 $0xFFFFEC40  }
0x2a: {  	[spmem:s10] =	stream.linear.scatter [tilespmem:s18], [sflag:$0x3], $0x13C0, $0x38;
	[tilespmem:$0x127E0] =	vst v63  }
0x2b: {  	_ =	swait.ge [sflag:s16], $0x13C0  }
0x2c: {  	[sflag:s16] =	ssyncset.done $0x0  }
0x2d: {  	[sflag:s16] =	ssyncadd.s32 $0xFFFFEC40  }
0x2e: {  	[spmem:s11] =	stream.linear.scatter [tilespmem:s18], [sflag:$0x3], $0x13C0, $0x38;
	[tilespmem:$0x127E0] =	vst v63  }
0x2f: {  	_ =	swait.ge [sflag:s16], $0x13C0  }
0x30: {  	[sflag:s16] =	ssyncset.done $0x0  }
0x31: {  	[sflag:s16] =	ssyncadd.s32 $0xFFFFEC40  }
0x32: {  	[spmem:s12] =	stream.linear.scatter [tilespmem:s18], [sflag:$0x3], $0x13C0, $0x38;
	[tilespmem:$0x127E0] =	vst v63  }
0x33: {  	_ =	swait.ge [sflag:s16], $0x13C0  }
0x34: {  	[sflag:s16] =	ssyncset.done $0x0  }
0x35: {  	[sflag:s16] =	ssyncadd.s32 $0xFFFFEC40  }
0x36: {  	[spmem:s13] =	stream.linear.scatter [tilespmem:s18], [sflag:$0x3], $0x13C0, $0x38;
	[tilespmem:$0x127E0] =	vst v63  }
0x37: {  	_ =	swait.ge [sflag:s16], $0x13C0  }
0x38: {  	[sflag:s16] =	ssyncset.done $0x0  }
0x39: {  	[sflag:s16] =	ssyncadd.s32 $0xFFFFEC40  }
0x3a: {  	[spmem:s14] =	stream.linear.scatter [tilespmem:s18], [sflag:$0x3], $0x13C0, $0x38;
	[tilespmem:$0x127E0] =	vst v63  }
0x3b: {  	_ =	swait.ge [sflag:s16], $0x13C0  }
0x3c: {  	[sflag:s16] =	ssyncset.done $0x0  }
0x3d: {  	[sflag:s16] =	ssyncadd.s32 $0xFFFFEC40  }
0x3e: {  	[spmem:s15] =	stream.linear.scatter [tilespmem:s18], [sflag:$0x3], $0x13C0, $0x38;
	[tilespmem:$0x127E0] =	vst v63  }
0x3f: {  	_ =	swait.ge [sflag:s16], $0x13C0  }
0x40: {  	[sflag:s16] =	ssyncset.done $0x0  }
0x41: {  	[sflag:s16] =	ssyncadd.s32 $0xFFFFEC40  }
0x42: {  	s0 =	simm.s32 $0x0;
	[bflag:$0x0] =	sbarrier.arrive $0xFFFF  }
0x43: {  	[tilespmem:s20], [sflag:$0x1] =	stream.indirect.gather [hbm4b:s4+s19], $0x40, s0, s19, $0xb8;
	[tilespmem:$0x127E0] =	vst v63  }
0x44: {  	s1 =	simm.s32 $0x50  }
0x45: {  	[tilespmem:s21], [sflag:$0x2] =	stream.indirect.gather [hbm4b:s4+s19], $0x40, s1, s19, $0xb8;
	[tilespmem:$0x127E0] =	vst v63  }
0x46: {  	_ =	swait.ge [sflag:s22], $0x1400  }
0x47: {  	[sflag:s22] =	ssyncset.done $0x0  }
0x48: {  	s17 =	simm.s32 $0x2710;
	[sflag:s22] =	ssyncadd.s32 $0xFFFFEC00  }
0x49: {  	[spmem:s2] =	stream.indirect.scatter.add.f32 [tilespmem:s20], [sflag:$0x4], $0x40, s17, s19, $0xb8;
	[tilespmem:$0x127E0] =	vst v63  }
0x4a: {  	_ =	swait.ge [sflag:s24], $0x1400  }
0x4b: {  	[sflag:s24] =	ssyncset.done $0x0  }
0x4c: {  	s1 =	simm.s32 $0xA0;
	[sflag:s24] =	ssyncadd.s32 $0xFFFFEC00  }
0x4d: {  	[tilespmem:s20], [sflag:$0x1] =	stream.indirect.gather [hbm4b:s4+s19], $0x40, s1, s19, $0xb8;
	[tilespmem:$0x127E0] =	vst v63  }
0x4e: {  	_ =	swait.ge [sflag:s26], $0x1400  }
0x4f: {  	[sflag:s26] =	ssyncset.done $0x0  }
0x50: {  	s17 =	simm.s32 $0x2760;
	[sflag:s26] =	ssyncadd.s32 $0xFFFFEC00  }
0x51: {  	[spmem:s2] =	stream.indirect.scatter.add.f32 [tilespmem:s21], [sflag:$0x3], $0x40, s17, s19, $0xb8;
	[tilespmem:$0x127E0] =	vst v63  }
0x52: {  	_ =	swait.ge [sflag:s16], $0x1400  }
0x53: {  	s31 =	simm.s32 $0x500;
	s30 =	simm.s32 $0xA0;
	[sflag:s16] =	ssyncset.done $0x0  }
.LBB2_4:
0x54: {  	s0 =	sadd.s32 $0x50, s30  }
0x55: {  	[sflag:s16] =	ssyncadd.s32 $0xFFFFEC00;
	s1 =	smov.u32 s31;
	s17 =	sadd.s32 $0x280, s31  }
0x56: {  	[tilespmem:s21], [sflag:$0x2] =	stream.indirect.gather [hbm4b:s4+s19], $0x40, s0, s19, $0xb8;
	[tilespmem:$0x127E0] =	vst v63  }
0x57: {  	p0 =	sne.s32 s31, $0x9880;
	_ =	swait.ge [sflag:s22], $0x1400  }
0x58: {  	[sflag:s22] =	ssyncset.done $0x0  }
0x59: {  	s0 =	sadd.s32 $0x2710, s30;
	[sflag:s22] =	ssyncadd.s32 $0xFFFFEC00  }
0x5a: {  	[spmem:s2] =	stream.indirect.scatter.add.f32 [tilespmem:s20], [sflag:$0x4], $0x40, s0, s19, $0xb8;
	[tilespmem:$0x127E0] =	vst v63  }
0x5b: {  	_ =	swait.ge [sflag:s24], $0x1400  }
0x5c: {  	[sflag:s24] =	ssyncset.done $0x0  }
0x5d: {  	s0 =	sadd.s32 $0xA0, s30;
	[sflag:s24] =	ssyncadd.s32 $0xFFFFEC00  }
0x5e: {  	[tilespmem:s20], [sflag:$0x1] =	stream.indirect.gather [hbm4b:s4+s19], $0x40, s0, s19, $0xb8;
	[tilespmem:$0x127E0] =	vst v63  }
0x5f: {  	_ =	swait.ge [sflag:s26], $0x1400  }
.Ltmp1:
0x60: {  	[sflag:s26] =	ssyncset.done $0x0;
	(pc) =	sbr.rel @p0 .LBB2_4-.Ltmp1, $4  }
0x61: {  	s0 =	sadd.s32 $0x2760, s30;
	[sflag:s26] =	ssyncadd.s32 $0xFFFFEC00  }
0x62: {  	[spmem:s2] =	stream.indirect.scatter.add.f32 [tilespmem:s21], [sflag:$0x3], $0x40, s0, s19, $0xb8;
	[tilespmem:$0x127E0] =	vst v63  }
0x63: {  	_ =	swait.ge [sflag:s16], $0x1400  }
0x64: {  	s31 =	smov.u32 s17;
	s30 =	sshra.s32 s1, $0x2;
	[sflag:s16] =	ssyncset.done $0x0  }
0x65: {  	s0 =	sadd.s32 $0x50, s30;
	[sflag:s16] =	ssyncadd.s32 $0xFFFFEC00  }
0x66: {  	[tilespmem:s21], [sflag:$0x2] =	stream.indirect.gather [hbm4b:s4+s19], $0x40, s0, s19, $0xb8;
	[tilespmem:$0x127E0] =	vst v63  }
0x67: {  	_ =	swait.ge [sflag:s22], $0x1400  }
0x68: {  	[sflag:s22] =	ssyncset.done $0x0  }
0x69: {  	s1 =	sadd.s32 $0x2710, s30;
	[sflag:s22] =	ssyncadd.s32 $0xFFFFEC00  }
0x6a: {  	[spmem:s2] =	stream.indirect.scatter.add.f32 [tilespmem:s20], [sflag:$0x4], $0x40, s1, s19, $0xb8;
	[tilespmem:$0x127E0] =	vst v63  }
0x6b: {  	_ =	swait.ge [sflag:s24], $0x1400  }
0x6c: {  	[sflag:s24] =	ssyncset.done $0x0  }
0x6d: {  	s17 =	sadd.s32 $0xA0, s30;
	[sflag:s24] =	ssyncadd.s32 $0xFFFFEC00  }
0x6e: {  	[tilespmem:s20], [sflag:$0x1] =	stream.indirect.gather [hbm4b:s4+s19], $0x40, s17, s19, $0xb8;
	[tilespmem:$0x127E0] =	vst v63  }
0x6f: {  	_ =	swait.ge [sflag:s26], $0x1400  }
0x70: {  	[sflag:s26] =	ssyncset.done $0x0  }
0x71: {  	s30 =	sadd.s32 $0x2760, s30;
	[sflag:s26] =	ssyncadd.s32 $0xFFFFEC00  }
0x72: {  	[spmem:s2] =	stream.indirect.scatter.add.f32 [tilespmem:s21], [sflag:$0x3], $0x40, s30, s19, $0xb8;
	[tilespmem:$0x127E0] =	vst v63  }
0x73: {  	_ =	swait.ge [sflag:s16], $0x1400  }
0x74: {  	[sflag:s16] =	ssyncset.done $0x0  }
0x75: {  	[sflag:s16] =	ssyncadd.s32 $0xFFFFEC00  }
0x76: {  	_ =	swait.ge [sflag:s22], $0x1400  }
0x77: {  	[sflag:s22] =	ssyncset.done $0x0  }
0x78: {  	[sflag:s22] =	ssyncadd.s32 $0xFFFFEC00  }
0x79: {  	[spmem:s2] =	stream.indirect.scatter.add.f32 [tilespmem:s20], [sflag:$0x4], $0x40, s28, s19, $0xb8;
	[tilespmem:$0x127E0] =	vst v63  }
0x7a: {  	_ =	swait.ge [sflag:s24], $0x1400  }
0x7b: {  	s31 =	stileid.u32;
	s29 =	sadd.s32 $0x1, s29;
	[sflag:s24] =	ssyncset.done $0x0  }
0x7c: {  	s0 =	sshll.u32 s31, $0x6;
	p0 =	sne.s32 s29, s8;
	[sflag:s24] =	ssyncadd.s32 $0xFFFFEC00  }
.Ltmp2:
0x7d: {  	s0 =	sor.u32 $0x1C03, s0;
	[bflag:$0x0] =	sbarrier.arrive $0xFFFF;
	(pc) =	sbr.rel @p0 .LBB2_1-.Ltmp2, $4  }
0x7e: {  	[hbm:s23], [sflag:s0] =	dma.local [spmem:s25], $0x13C0  }
0x7f: {  	_ =	swait.ge [sflag:s16], $0x13C0  }
0x80: {  	[sflag:s16] =	ssyncset.done $0x0  }
0x81: {  	[sflag:s16] =	ssyncadd.s32 $0xFFFFEC40  }
0x82: {  	_ =	sfence.sel $0x180000  }
0x83: {  	[bflag:$0x0] =	sbarrier.arrive $0xFFFF  }
0x84: {  	_ =	strace $0x9000004A  }
0x85: {  	s0 =	stileid.u32;
	[bflag:$0x2] =	sbarrier.arrive $0xFFFF  }
0x86: {  	p0 =	sne.s32 s0, $0x0;
	s0 =	rddreg [dreg:$0x2]  }
0x87: {  	s0 =	sadd.s32 @!p0 $0x100000, s0  }
0x88: {  	[sflag:s0] =	ssyncadd.tile.s32 @!p0 $0x1;
	_ =	shalt  }
.Lfunc_end2:
_tile_overlayer_lowered:
.L_overlay_start_2:
0x89: {  	(tag) =	ssettag $0x2  }
0x8a: {  	s0 =	rddreg [dreg:$0x0];
	s2 =	stileid.u32  }
0x8b: {  	s1 =	rddreg [dreg:$0x1];
	p0 =	sne.s32 s2, $0x0  }
0x8c: {  	s3 =	rddreg [dreg:$0x2];
	[bflag:$0x3] =	sbarrier.arrive $0xFFFF;
	s2 =	simm.s32 @!p0 $0x1C03  }
0x8d: {  	[timem:s3], [sflag:s2] =	dma.local @!p0 [hbm:s0], s1  }
0x8e: {  	s0 =	simm.s32 @!p0 $0x3  }
0x8f: {  	_ =	swait.ge @!p0 [sflag:s0], s1  }
0x90: {  	s1 =	ssub.s32 @!p0 $0x0, s1;
	[sflag:s0] =	ssyncset.done @!p0 $0x0  }
0x91: {  	[sflag:s0] =	ssyncadd.s32 @!p0 s1  }
0x92: {  	[bflag:$0x3] =	sbarrier.arrive $0xFFFF  }
0x93: {  	_ =	shalt  }

// kernel: kernel.16.cloned.1.call-start
scs
__scs_entry_jumppad:
0x0: {  	(pc) =	sbr.rel $0x88, $3  }
0x1: {  	(tag) =	ssettag $0x0;
	lr =	simm.s32 $0x1  }
0x2: {  	[smem:$0x3F81] =	sst lr;
	_ =	strace $0xD0000000  }
0x3: {  	_ = 	snop  }
0x4: {  	_ = 	snop  }
0x5: {  	_ = 	snop  }
0x6: {  	_ = 	snop  }
0x7: {  	_ = 	snop  }
__scs_overlays_trampoline_lowered:
0x8: {  	[smem:$0x3F90] =	sst s0  }
0x9: {  	[smem:$0x3F91] =	sst s1  }
0xa: {  	[smem:$0x3F92] =	sst s2  }
0xb: {  	[smem:$0x3F93] =	sst s3  }
0xc: {  	[smem:$0x3F94] =	sst s4  }
0xd: {  	[smem:$0x3F95] =	sst s5  }
0xe: {  	[smem:$0x3F96] =	sst s6  }
0xf: {  	[smem:$0x3F97] =	sst s7  }
0x10: {  	[smem:$0x3F98] =	sst s8  }
0x11: {  	[smem:$0x3F99] =	sst s9;
	s0 =	simm.s32 @!p0 $0x0  }
0x12: {  	s1 =	sld [smem:$0x3F7F];
	s0 =	simm.s32 @p0 $0x1  }
0x13: {  	[smem:$0x3F9A] =	sst s0;
	s0 =	simm.s32 @!p1 $0x0  }
0x14: {  	s2 =	sld [smem:$0x3F7E];
	s0 =	simm.s32 @p1 $0x1  }
0x15: {  	[smem:$0x3F9B] =	sst s0;
	s0 =	simm.s32 @!p2 $0x0  }
0x16: {  	s3 =	sld [smem:$0x3FDB];
	s0 =	simm.s32 @p2 $0x1  }
0x17: {  	s4 =	simm.s32 $0x1BF5;
	[smem:$0x3F9D] =	sst s0  }
0x18: {  	s0 =	sld [smem:$0x3F80];
	_ =	swait.ge [sflag:s4], $0x0  }
0x19: {  	s7 =	sld [smem:$0x3F81]  }
0x1a: {  	s8 =	sadd.s32 $0xFFFFE003, lr  }
0x1b: {  	s9 =	sadd.s32 $0xFFFFFEF7, lr;
	s5 =	simm.s32 $0xFFFFFFFF;
	p2 =	slt.u32 s8, $0xFFFFF086  }
0x1c: {  	p1 =	slt.u32 s9, $0xF7A;
	s5 =	simm.s32 @!p2 $0x0  }
0x1d: {  	s5 =	simm.s32 @p1 $0x1;
	p0 =	seq.s32 s7, s2  }
0x1e: {  	s7 =	smul.u32 @!p0 $0xF7A, s2;
	p2 =	seq.s32 @!p0 s5, $0x0  }
0x1f: {  	s9 =	smul.u32 $0xF7A, s1;
	s8 =	simm.s32 @!p0 $0x1BF5;
	p2 =	por !p2, p0  }
0x20: {  	[sflag:s8] =	ssyncset.s32 @!p0 $0xFFFFF086;
	s6 =	sadd.s32 @!p0 s3, s7;
	s7 =	simm.s32 @!p0 $0x108  }
0x21: {  	s3 =	sadd.s32 s3, s9;
	s6 =	sadd.s32 @!p0 $0x88, s6;
	s7 =	simm.s32 @p2 $0x1082  }
0x22: {  	[simem:s7], [sflag:s8] =	dma.local @!p0 [hbm:s6], $0xF7A  }
0x23: {  	s9 =	sor.u32 $0xD0000000, s2;
	s6 =	simm.s32 $0x108;
	_ =	swait.ge @!p0 [sflag:s8], $0x0  }
0x24: {  	s3 =	sadd.s32 $0x88, s3;
	s6 =	simm.s32 @!p1 $0x1082;
	[sflag:s4] =	ssyncset.s32 $0xFFFFF086  }
0x25: {  	[simem:s6], [sflag:s4] =	dma.local [hbm:s3], $0xF7A  }
0x26: {  	[smem:$0x3F81] =	sst s1;
	(tag) =	ssettag s2;
	_ =	strace s9  }
0x27: {  	s1 =	sld [smem:$0x3F91]  }
0x28: {  	s2 =	sld [smem:$0x3F92]  }
0x29: {  	s4 =	sld [smem:$0x3F94]  }
0x2a: {  	p0 =	seq.s32 s5, $0x0;
	s5 =	sld [smem:$0x3F95]  }
0x2b: {  	s6 =	sld [smem:$0x3F96]  }
0x2c: {  	s7 =	sld [smem:$0x3F97]  }
0x2d: {  	s3 =	simm.s32 $0x108;
	s8 =	sld [smem:$0x3F98]  }
0x2e: {  	s3 =	simm.s32 @!p0 $0x1082;
	s9 =	sld [smem:$0x3F99]  }
0x2f: {  	lr =	sadd.s32 s0, s3;
	s0 =	sld [smem:$0x3F90]  }
0x30: {  	s3 =	sld [smem:$0x3F93]  }
0x31: {  	[smem:$0x3F9C] =	sst s10  }
0x32: {  	s10 =	sld [smem:$0x3F9A];
	_ =	sdelay $0x3  }
0x33: {  	p0 =	seq.s32 s10, $0x1;
	s10 =	sld [smem:$0x3F9C];
	_ =	sdelay $0x3  }
0x34: {  	[smem:$0x3F9C] =	sst s10  }
0x35: {  	s10 =	sld [smem:$0x3F9B];
	_ =	sdelay $0x3  }
0x36: {  	p1 =	seq.s32 s10, $0x1;
	s10 =	sld [smem:$0x3F9C];
	_ =	sdelay $0x3  }
0x37: {  	[smem:$0x3F9C] =	sst s10  }
0x38: {  	s10 =	sld [smem:$0x3F9D]  }
0x39: {  	_ = 	snop;
	(pc) =	sbr.ind lr, $3  }
0x3a: {  	_ = 	snop  }
0x3b: {  	_ = 	snop  }
0x3c: {  	p2 =	seq.s32 s10, $0x1;
	s10 =	sld [smem:$0x3F9C]  }
0x3d: {  	_ =	shalt  }
0x3e: {  	_ =	shalt  }
0x3f: {  	_ =	shalt  }
0x40: {  	_ =	shalt  }
0x41: {  	_ =	shalt  }
0x42: {  	_ =	shalt  }
0x43: {  	_ =	shalt  }
0x44: {  	_ =	shalt  }
0x45: {  	_ =	shalt  }
0x46: {  	_ =	shalt  }
0x47: {  	_ =	shalt  }
0x48: {  	_ =	shalt  }
0x49: {  	_ =	shalt  }
0x4a: {  	_ =	shalt  }
0x4b: {  	_ =	shalt  }
0x4c: {  	_ =	shalt  }
0x4d: {  	_ =	shalt  }
0x4e: {  	_ =	shalt  }
0x4f: {  	_ =	shalt  }
0x50: {  	_ =	shalt  }
0x51: {  	_ =	shalt  }
0x52: {  	_ =	shalt  }
0x53: {  	_ =	shalt  }
0x54: {  	_ =	shalt  }
0x55: {  	_ =	shalt  }
0x56: {  	_ =	shalt  }
0x57: {  	_ =	shalt  }
0x58: {  	_ =	shalt  }
0x59: {  	_ =	shalt  }
0x5a: {  	_ =	shalt  }
0x5b: {  	_ =	shalt  }
0x5c: {  	_ =	shalt  }
0x5d: {  	_ =	shalt  }
0x5e: {  	_ =	shalt  }
0x5f: {  	_ =	shalt  }
0x60: {  	_ =	shalt  }
0x61: {  	_ =	shalt  }
0x62: {  	_ =	shalt  }
0x63: {  	_ =	shalt  }
0x64: {  	_ =	shalt  }
0x65: {  	_ =	shalt  }
0x66: {  	_ =	shalt  }
0x67: {  	_ =	shalt  }
0x68: {  	_ =	shalt  }
0x69: {  	_ =	shalt  }
0x6a: {  	_ =	shalt  }
0x6b: {  	_ =	shalt  }
0x6c: {  	_ =	shalt  }
0x6d: {  	_ =	shalt  }
0x6e: {  	_ =	shalt  }
0x6f: {  	_ =	shalt  }
0x70: {  	_ =	shalt  }
0x71: {  	_ =	shalt  }
0x72: {  	_ =	shalt  }
0x73: {  	_ =	shalt  }
0x74: {  	_ =	shalt  }
0x75: {  	_ =	shalt  }
0x76: {  	_ =	shalt  }
0x77: {  	_ =	shalt  }
0x78: {  	_ =	shalt  }
0x79: {  	_ =	shalt  }
0x7a: {  	_ =	shalt  }
0x7b: {  	_ =	shalt  }
0x7c: {  	_ =	shalt  }
0x7d: {  	_ =	shalt  }
0x7e: {  	_ =	shalt  }
0x7f: {  	_ =	shalt  }
0x80: {  	_ =	shalt  }
0x81: {  	_ =	shalt  }
0x82: {  	_ =	shalt  }
0x83: {  	_ =	shalt  }
0x84: {  	_ =	shalt  }
0x85: {  	_ =	shalt  }
0x86: {  	_ =	shalt  }
0x87: {  	_ =	shalt  }
.Lfunc_end0:
.L_simem_size_0:
called_computation.2_lowered:
.L_overlay_start_0:
0x88: {  	s2 =	sld [smem:$0x3FD9]  }
0x89: {  	s3 =	sld [smem:$0x3FFE];
	_ =	sdelay $0x1  }
0x8a: {  	s1 =	srdreg.scid  }
0x8b: {  	s0 =	sand.u32 $0x1, s1  }
0x8c: {  	s16 =	sshll.u32 s0, $0xA;
	s2 =	sadd.s32 s3, s2  }
0x8d: {  	s2 =	sadd.s32 s2, s16  }
0x8e: {  	[smem:$0x3FA8] =	sst s2  }
0x8f: {  	_ = 	snop  }
0x90: {  	(tm) =	ssettm $0x1  }
0x91: {  	s17 =	sld [smem:$0x3FFB];
	_ =	sdelay $0x3  }
0x92: {  	_ =	strace s17  }
0x93: {  	s2 =	sld [smem:$0x3FFC];
	_ =	sdelay $0x3  }
0x94: {  	_ =	strace s2  }
0x95: {  	s2 =	sld [smem:$0x3FFD];
	_ =	sdelay $0x3  }
0x96: {  	_ =	strace s2  }
0x97: {  	_ =	strace $0x8FFFFFFF  }
0x98: {  	s18 =	sld [smem:$0x3FDB];
	_ =	sdelay $0x1  }
0x99: {  	s19 =	simm.s32 $_scs_section_size  }
0x9a: {  	s4 =	simm.s32 $_size__tile_overlayer_lowered;
	s5 =	simm.s32 $_tile_overlayer_lowered  }
0x9b: {  	s22 =	simm.s32 $0x1BFF;
	s21 =	sshll.u32 s5, $0x1;
	s2 =	sadd.s32 s19, s18  }
0x9c: {  	s6 =	simm.s32 $0x0;
	s20 =	sshll.u32 s4, $0x1;
	s4 =	sadd.s32 s21, s2  }
0x9d: {  	[timem:s6], [sflag:s22] =	dma.local [hbm:s4], s20  }
0x9e: {  	_ =	swait.ge [sflag:s22], s20  }
0x9f: {  	s3 =	ssub.s32 $0x0, s20;
	[sflag:s22] =	ssyncset.done $0x0  }
0xa0: {  	[sflag:s22] =	ssyncadd.s32 s3;
	_ =	sdelay $0x1  }
0xa1: {  	s23 =	simm.s32 $0x1B8B  }
0xa2: {  	_ =	swait.ge [sflag:s23], $0x1  }
0xa3: {  	[sflag:s23] =	ssyncset.done $0x0  }
0xa4: {  	s25 =	simm.s32 $0x1B8E;
	s24 =	sld [smem:$0x3FFE];
	[sflag:s23] =	ssyncadd.s32 $0xFFFFFFFF  }
0xa5: {  	s26 =	simm.s32 $execute0_lowered;
	[smem:$0x3FD2] =	sst s25  }
0xa6: {  	s4 =	sshll.u32 s26, $0x1;
	_ =	strace $0x8000004C;
	[dreg:$0x1] =	wrdreg $0xFFFFFFFF  }
0xa7: {  	s28 =	simm.s32 $_size_execute0_lowered;
	s2 =	sadd.s32 s2, s4;
	[dreg:$0x0] =	wrdreg $0x0  }
0xa8: {  	s4 =	sshll.u32 s28, $0x1;
	[dreg:$0x2] =	wrdreg s2  }
0xa9: {  	[dreg:$0x3] =	wrdreg s4  }
0xaa: {  	[dreg:$0x4] =	wrdreg $0xC0  }
0xab: {  	_ =	task [dreg:s6], $0x5FFFF  }
0xac: {  	[dreg:$0x1] =	wrdreg $0xFFFFFFFF  }
0xad: {  	[dreg:$0x0] =	wrdreg $0x60  }
0xae: {  	[dreg:$0x2] =	wrdreg s24  }
0xaf: {  	[dreg:$0x3] =	wrdreg $0x89E00  }
0xb0: {  	[dreg:$0x4] =	wrdreg $0x9  }
0xb1: {  	_ =	task.clear_ibuf [dreg:s6], $0x5FFFF;
	_ =	strace $0x9000004C  }
0xb2: {  	s29 =	simm.s32 $0x9;
	_ =	strace $0x8000004E  }
0xb3: {  	_ =	swait.ge [sflag:s29], $0x1  }
0xb4: {  	[sflag:s29] =	ssyncadd.s32 $0xFFFFFFFF  }
0xb5: {  	_ =	strace $0x9000004E  }
0xb6: {  	_ =	sfence  }
0xb7: {  	s30 =	sld [smem:$0x0];
	_ =	sdelay $0x2  }
0xb8: {  	s31 =	sshll.u32 s1, $0xD;
	s1 =	sshrl.u32 s1, $0x2  }
0xb9: {  	s3 =	sand.u32 $0x4000, s31;
	s1 =	sadd.s32 s1, s30  }
0xba: {  	s0 =	sor.u32 s3, s0;
	s1 =	sshll.u32 s1, $0x11  }
0xbb: {  	s0 =	sor.u32 s1, s0  }
0xbc: {  	s0 =	sadd.s32 $0x8F2B, s0  }
0xbd: {  	[sflag:s0] =	ssyncadd.remote.s32 $0x1  }
0xbe: {  	_ =	sfence.sel $0xFFFF  }
0xbf: {  	[dreg:$0x0] =	wrdreg $0xFFFFFFFF;
	(pc) =	sbr.abs _section_cstart, $3  }
0xc0: {  	[dreg:$0x1] =	wrdreg $0xFFFFFFFF  }
0xc1: {  	_ =	task.clear_ibuf [dreg:s6], $0x2FFFF;
	_ =	strace $0x9FFFFFFF  }
0xc2: {  	(tm) =	ssettm $0x7FFFFFFF  }
0xc3: {  	_ =	shalt  }
tec
execute0_lowered:
.L_overlay_start_1:
0x0: {  	(tag) =	ssettag $0x1  }
0x1: {  	s0 =	srdreg.scid;
	s5 =	rddreg [dreg:$0x0]  }
0x2: {  	s2 =	rddreg [dreg:$0x1];
	s26 =	stileid.u32;
	s3 =	simm.s32 $0x0  }
0x3: {  	s16 =	simm.s32 $0x3;
	s18 =	simm.s32 $0x7620;
	s19 =	simm.s32 $0x50  }
0x4: {  	s20 =	simm.s32 $0x4E20;
	s21 =	simm.s32 $0x6220;
	s22 =	simm.s32 $0x1  }
0x5: {  	s28 =	simm.s32 $0x4DD0;
	s29 =	simm.s32 $0x0;
	s9 =	smul.u32 $0x27800, s26  }
0x6: {  	s6 =	sand.u32 $0x1, s0;
	[smem:$0x7FF] =	sst s3;
	s11 =	smul.u32 $0x9E00, s26  }
0x7: {  	s4 =	sshll.u32 s6, $0x4;
	s8 =	smul.u32 $0x13C00, s6;
	s6 =	ssub.s32 $0x2, s6  }
0x8: {  	_ =	strace $0x8000004D;
	s4 =	sor.u32 s26, s4;
	s30 =	sshrl.u32 s6, $0x1  }
0x9: {  	s31 =	sshrl.u32 s9, $0x2;
	s24 =	sshrl.u32 s11, $0x3;
	s25 =	sadd.s32 s11, s2  }
0xa: {  	s26 =	simm.s32 $0x2;
	s7 =	smul.u32 $0x4E2, s4;
	s4 =	sadd.s32 $0x4400, s5  }
0xb: {  	s8 =	sadd.s32 s8, s5;
	s10 =	ssub.s32 s6, s30;
	s25 =	sshrl.u32 s25, $0x3  }
0xc: {  	s23 =	sadd.s32 $0x2BA00, s8;
	s8 =	smax.u32 s10, $0x1;
	s7 =	sadd.s32 s7, s5  }
0xd: {  	s5 =	sadd.s32 $0x21C00, s7;
	s6 =	sadd.s32 $0x17E00, s7;
	s7 =	sadd.s32 s31, s2  }
0xe: {  	s23 =	sadd.s32 s24, s23;
	s24 =	simm.s32 $0x4;
	s9 =	sadd.s32 $0x13C0, s7  }
0xf: {  	s10 =	sadd.s32 $0x2780, s7;
	s11 =	sadd.s32 $0x3B40, s7;
	s12 =	sadd.s32 $0x4F00, s7  }
0x10: {  	v0 =	vimm.f32 $0.0e+00;
	s13 =	sadd.s32 $0x62C0, s7;
	s14 =	sadd.s32 $0x7680, s7;
	s15 =	sadd.s32 $0x8A40, s7  }
.LBB2_1:
0x11: {  	[tilespmem:s3], [sflag:$0x3] =	stream.linear.gather [hbm4b:s5+s3], $0x2710, $0x38;
	[tilespmem:$0x127E0] =	vst v63  }
0x12: {  	_ =	swait.ge [sflag:s16], $0x2710  }
0x13: {  	[sflag:s16] =	ssyncset.done $0x0  }
0x14: {  	s0 =	simm.s32 $0x2710;
	[sflag:s16] =	ssyncadd.s32 $0xFFFFD8F0  }
0x15: {  	[tilespmem:s0], [sflag:$0x3] =	stream.linear.gather [hbm4b:s6+s3], $0x2710, $0x38;
	[tilespmem:$0x127E0] =	vst v63  }
0x16: {  	_ =	swait.ge [sflag:s16], $0x2710  }
0x17: {  	[sflag:s16] =	ssyncset.done $0x0  }
0x18: {  	s31 =	simm.s32 $0x100;
	s30 =	simm.s32 $0x0;
	[sflag:s16] =	ssyncadd.s32 $0xFFFFD8F0  }
.LBB2_2:
0x19: {  	p0 =	sne.s32 s31, $0x4E00;
	[tilespmem:s30+$0x7650] =	vst v0;
	s0 =	smov.u32 s31;
	s31 =	sadd.s32 $0x100, s31  }
.Ltmp0:
0x1a: {  	[tilespmem:s30+$0x7640] =	vst v0;
	(pc) =	sbr.rel @p0 .LBB2_2-.Ltmp0, $3  }
0x1b: {  	[tilespmem:s30+$0x7620] =	vst v0  }
0x1c: {  	[tilespmem:s30+$0x7630] =	vst v0;
	_ =	sdelay $0x1  }
0x1d: {  	s30 =	sshra.s32 s0, $0x2  }
0x1e: {  	[tilespmem:s30+$0x7650] =	vst v0  }
0x1f: {  	[tilespmem:s30+$0x7640] =	vst v0  }
0x20: {  	[tilespmem:s30+$0x7620] =	vst v0  }
0x21: {  	[tilespmem:s30+$0x7630] =	vst v0  }
0x22: {  	[spmem:s7] =	stream.linear.scatter [tilespmem:s18], [sflag:$0x3], $0x13C0, $0x38;
	[tilespmem:$0x127E0] =	vst v63  }
0x23: {  	_ =	swait.ge [sflag:s16], $0x13C0  }
0x24: {  	[sflag:s16] =	ssyncset.done $0x0  }
0x25: {  	[sflag:s16] =	ssyncadd.s32 $0xFFFFEC40  }
0x26: {  	[spmem:s9] =	stream.linear.scatter [tilespmem:s18], [sflag:$0x3], $0x13C0, $0x38;
	[tilespmem:$0x127E0] =	vst v63  }
0x27: {  	_ =	swait.ge [sflag:s16], $0x13C0  }
0x28: {  	[sflag:s16] =	ssyncset.done $0x0  }
0x29: {  	[sflag:s16] =	ssyncadd.s32 $0xFFFFEC40  }
0x2a: {  	[spmem:s10] =	stream.linear.scatter [tilespmem:s18], [sflag:$0x3], $0x13C0, $0x38;
	[tilespmem:$0x127E0] =	vst v63  }
0x2b: {  	_ =	swait.ge [sflag:s16], $0x13C0  }
0x2c: {  	[sflag:s16] =	ssyncset.done $0x0  }
0x2d: {  	[sflag:s16] =	ssyncadd.s32 $0xFFFFEC40  }
0x2e: {  	[spmem:s11] =	stream.linear.scatter [tilespmem:s18], [sflag:$0x3], $0x13C0, $0x38;
	[tilespmem:$0x127E0] =	vst v63  }
0x2f: {  	_ =	swait.ge [sflag:s16], $0x13C0  }
0x30: {  	[sflag:s16] =	ssyncset.done $0x0  }
0x31: {  	[sflag:s16] =	ssyncadd.s32 $0xFFFFEC40  }
0x32: {  	[spmem:s12] =	stream.linear.scatter [tilespmem:s18], [sflag:$0x3], $0x13C0, $0x38;
	[tilespmem:$0x127E0] =	vst v63  }
0x33: {  	_ =	swait.ge [sflag:s16], $0x13C0  }
0x34: {  	[sflag:s16] =	ssyncset.done $0x0  }
0x35: {  	[sflag:s16] =	ssyncadd.s32 $0xFFFFEC40  }
0x36: {  	[spmem:s13] =	stream.linear.scatter [tilespmem:s18], [sflag:$0x3], $0x13C0, $0x38;
	[tilespmem:$0x127E0] =	vst v63  }
0x37: {  	_ =	swait.ge [sflag:s16], $0x13C0  }
0x38: {  	[sflag:s16] =	ssyncset.done $0x0  }
0x39: {  	[sflag:s16] =	ssyncadd.s32 $0xFFFFEC40  }
0x3a: {  	[spmem:s14] =	stream.linear.scatter [tilespmem:s18], [sflag:$0x3], $0x13C0, $0x38;
	[tilespmem:$0x127E0] =	vst v63  }
0x3b: {  	_ =	swait.ge [sflag:s16], $0x13C0  }
0x3c: {  	[sflag:s16] =	ssyncset.done $0x0  }
0x3d: {  	[sflag:s16] =	ssyncadd.s32 $0xFFFFEC40  }
0x3e: {  	[spmem:s15] =	stream.linear.scatter [tilespmem:s18], [sflag:$0x3], $0x13C0, $0x38;
	[tilespmem:$0x127E0] =	vst v63  }
0x3f: {  	_ =	swait.ge [sflag:s16], $0x13C0  }
0x40: {  	[sflag:s16] =	ssyncset.done $0x0  }
0x41: {  	[sflag:s16] =	ssyncadd.s32 $0xFFFFEC40  }
0x42: {  	s0 =	simm.s32 $0x0;
	[bflag:$0x0] =	sbarrier.arrive $0xFFFF  }
0x43: {  	[tilespmem:s20], [sflag:$0x1] =	stream.indirect.gather [hbm4b:s4+s19], $0x40, s0, s19, $0xb8;
	[tilespmem:$0x127E0] =	vst v63  }
0x44: {  	s1 =	simm.s32 $0x50  }
0x45: {  	[tilespmem:s21], [sflag:$0x2] =	stream.indirect.gather [hbm4b:s4+s19], $0x40, s1, s19, $0xb8;
	[tilespmem:$0x127E0] =	vst v63  }
0x46: {  	_ =	swait.ge [sflag:s22], $0x1400  }
0x47: {  	[sflag:s22] =	ssyncset.done $0x0  }
0x48: {  	s17 =	simm.s32 $0x2710;
	[sflag:s22] =	ssyncadd.s32 $0xFFFFEC00  }
0x49: {  	[spmem:s2] =	stream.indirect.scatter.add.f32 [tilespmem:s20], [sflag:$0x4], $0x40, s17, s19, $0xb8;
	[tilespmem:$0x127E0] =	vst v63  }
0x4a: {  	_ =	swait.ge [sflag:s24], $0x1400  }
0x4b: {  	[sflag:s24] =	ssyncset.done $0x0  }
0x4c: {  	s1 =	simm.s32 $0xA0;
	[sflag:s24] =	ssyncadd.s32 $0xFFFFEC00  }
0x4d: {  	[tilespmem:s20], [sflag:$0x1] =	stream.indirect.gather [hbm4b:s4+s19], $0x40, s1, s19, $0xb8;
	[tilespmem:$0x127E0] =	vst v63  }
0x4e: {  	_ =	swait.ge [sflag:s26], $0x1400  }
0x4f: {  	[sflag:s26] =	ssyncset.done $0x0  }
0x50: {  	s17 =	simm.s32 $0x2760;
	[sflag:s26] =	ssyncadd.s32 $0xFFFFEC00  }
0x51: {  	[spmem:s2] =	stream.indirect.scatter.add.f32 [tilespmem:s21], [sflag:$0x3], $0x40, s17, s19, $0xb8;
	[tilespmem:$0x127E0] =	vst v63  }
0x52: {  	_ =	swait.ge [sflag:s16], $0x1400  }
0x53: {  	s31 =	simm.s32 $0x500;
	s30 =	simm.s32 $0xA0;
	[sflag:s16] =	ssyncset.done $0x0  }
.LBB2_4:
0x54: {  	s0 =	sadd.s32 $0x50, s30  }
0x55: {  	[sflag:s16] =	ssyncadd.s32 $0xFFFFEC00;
	s1 =	smov.u32 s31;
	s17 =	sadd.s32 $0x280, s31  }
0x56: {  	[tilespmem:s21], [sflag:$0x2] =	stream.indirect.gather [hbm4b:s4+s19], $0x40, s0, s19, $0xb8;
	[tilespmem:$0x127E0] =	vst v63  }
0x57: {  	p0 =	sne.s32 s31, $0x9880;
	_ =	swait.ge [sflag:s22], $0x1400  }
0x58: {  	[sflag:s22] =	ssyncset.done $0x0  }
0x59: {  	s0 =	sadd.s32 $0x2710, s30;
	[sflag:s22] =	ssyncadd.s32 $0xFFFFEC00  }
0x5a: {  	[spmem:s2] =	stream.indirect.scatter.add.f32 [tilespmem:s20], [sflag:$0x4], $0x40, s0, s19, $0xb8;
	[tilespmem:$0x127E0] =	vst v63  }
0x5b: {  	_ =	swait.ge [sflag:s24], $0x1400  }
0x5c: {  	[sflag:s24] =	ssyncset.done $0x0  }
0x5d: {  	s0 =	sadd.s32 $0xA0, s30;
	[sflag:s24] =	ssyncadd.s32 $0xFFFFEC00  }
0x5e: {  	[tilespmem:s20], [sflag:$0x1] =	stream.indirect.gather [hbm4b:s4+s19], $0x40, s0, s19, $0xb8;
	[tilespmem:$0x127E0] =	vst v63  }
0x5f: {  	_ =	swait.ge [sflag:s26], $0x1400  }
.Ltmp1:
0x60: {  	[sflag:s26] =	ssyncset.done $0x0;
	(pc) =	sbr.rel @p0 .LBB2_4-.Ltmp1, $4  }
0x61: {  	s0 =	sadd.s32 $0x2760, s30;
	[sflag:s26] =	ssyncadd.s32 $0xFFFFEC00  }
0x62: {  	[spmem:s2] =	stream.indirect.scatter.add.f32 [tilespmem:s21], [sflag:$0x3], $0x40, s0, s19, $0xb8;
	[tilespmem:$0x127E0] =	vst v63  }
0x63: {  	_ =	swait.ge [sflag:s16], $0x1400  }
0x64: {  	s31 =	smov.u32 s17;
	s30 =	sshra.s32 s1, $0x2;
	[sflag:s16] =	ssyncset.done $0x0  }
0x65: {  	s0 =	sadd.s32 $0x50, s30;
	[sflag:s16] =	ssyncadd.s32 $0xFFFFEC00  }
0x66: {  	[tilespmem:s21], [sflag:$0x2] =	stream.indirect.gather [hbm4b:s4+s19], $0x40, s0, s19, $0xb8;
	[tilespmem:$0x127E0] =	vst v63  }
0x67: {  	_ =	swait.ge [sflag:s22], $0x1400  }
0x68: {  	[sflag:s22] =	ssyncset.done $0x0  }
0x69: {  	s1 =	sadd.s32 $0x2710, s30;
	[sflag:s22] =	ssyncadd.s32 $0xFFFFEC00  }
0x6a: {  	[spmem:s2] =	stream.indirect.scatter.add.f32 [tilespmem:s20], [sflag:$0x4], $0x40, s1, s19, $0xb8;
	[tilespmem:$0x127E0] =	vst v63  }
0x6b: {  	_ =	swait.ge [sflag:s24], $0x1400  }
0x6c: {  	[sflag:s24] =	ssyncset.done $0x0  }
0x6d: {  	s17 =	sadd.s32 $0xA0, s30;
	[sflag:s24] =	ssyncadd.s32 $0xFFFFEC00  }
0x6e: {  	[tilespmem:s20], [sflag:$0x1] =	stream.indirect.gather [hbm4b:s4+s19], $0x40, s17, s19, $0xb8;
	[tilespmem:$0x127E0] =	vst v63  }
0x6f: {  	_ =	swait.ge [sflag:s26], $0x1400  }
0x70: {  	[sflag:s26] =	ssyncset.done $0x0  }
0x71: {  	s30 =	sadd.s32 $0x2760, s30;
	[sflag:s26] =	ssyncadd.s32 $0xFFFFEC00  }
0x72: {  	[spmem:s2] =	stream.indirect.scatter.add.f32 [tilespmem:s21], [sflag:$0x3], $0x40, s30, s19, $0xb8;
	[tilespmem:$0x127E0] =	vst v63  }
0x73: {  	_ =	swait.ge [sflag:s16], $0x1400  }
0x74: {  	[sflag:s16] =	ssyncset.done $0x0  }
0x75: {  	[sflag:s16] =	ssyncadd.s32 $0xFFFFEC00  }
0x76: {  	_ =	swait.ge [sflag:s22], $0x1400  }
0x77: {  	[sflag:s22] =	ssyncset.done $0x0  }
0x78: {  	[sflag:s22] =	ssyncadd.s32 $0xFFFFEC00  }
0x79: {  	[spmem:s2] =	stream.indirect.scatter.add.f32 [tilespmem:s20], [sflag:$0x4], $0x40, s28, s19, $0xb8;
	[tilespmem:$0x127E0] =	vst v63  }
0x7a: {  	_ =	swait.ge [sflag:s24], $0x1400  }
0x7b: {  	s31 =	stileid.u32;
	s29 =	sadd.s32 $0x1, s29;
	[sflag:s24] =	ssyncset.done $0x0  }
0x7c: {  	s0 =	sshll.u32 s31, $0x6;
	p0 =	sne.s32 s29, s8;
	[sflag:s24] =	ssyncadd.s32 $0xFFFFEC00  }
.Ltmp2:
0x7d: {  	s0 =	sor.u32 $0x1C03, s0;
	[bflag:$0x0] =	sbarrier.arrive $0xFFFF;
	(pc) =	sbr.rel @p0 .LBB2_1-.Ltmp2, $4  }
0x7e: {  	[hbm:s23], [sflag:s0] =	dma.local [spmem:s25], $0x13C0  }
0x7f: {  	_ =	swait.ge [sflag:s16], $0x13C0  }
0x80: {  	[sflag:s16] =	ssyncset.done $0x0  }
0x81: {  	[sflag:s16] =	ssyncadd.s32 $0xFFFFEC40  }
0x82: {  	_ =	sfence.sel $0x180000  }
0x83: {  	[bflag:$0x0] =	sbarrier.arrive $0xFFFF  }
0x84: {  	_ =	strace $0x9000004D  }
0x85: {  	s0 =	stileid.u32;
	[bflag:$0x2] =	sbarrier.arrive $0xFFFF  }
0x86: {  	p0 =	sne.s32 s0, $0x0;
	s0 =	rddreg [dreg:$0x2]  }
0x87: {  	s0 =	sadd.s32 @!p0 $0x100000, s0  }
0x88: {  	[sflag:s0] =	ssyncadd.tile.s32 @!p0 $0x1;
	_ =	shalt  }
.Lfunc_end2:
_tile_overlayer_lowered:
.L_overlay_start_2:
0x89: {  	(tag) =	ssettag $0x2  }
0x8a: {  	s0 =	rddreg [dreg:$0x0];
	s2 =	stileid.u32  }
0x8b: {  	s1 =	rddreg [dreg:$0x1];
	p0 =	sne.s32 s2, $0x0  }
0x8c: {  	s3 =	rddreg [dreg:$0x2];
	[bflag:$0x3] =	sbarrier.arrive $0xFFFF;
	s2 =	simm.s32 @!p0 $0x1C03  }
0x8d: {  	[timem:s3], [sflag:s2] =	dma.local @!p0 [hbm:s0], s1  }
0x8e: {  	s0 =	simm.s32 @!p0 $0x3  }
0x8f: {  	_ =	swait.ge @!p0 [sflag:s0], s1  }
0x90: {  	s1 =	ssub.s32 @!p0 $0x0, s1;
	[sflag:s0] =	ssyncset.done @!p0 $0x0  }
0x91: {  	[sflag:s0] =	ssyncadd.s32 @!p0 s1  }
0x92: {  	[bflag:$0x3] =	sbarrier.arrive $0xFFFF  }
0x93: {  	_ =	shalt  }

</sc_bundles>
